<compile_context>
chip_gen: v7x
topology: tpu7x:2x2x1
jax: 0.10.2.dev20260603
libtpu: 0.0.44.dev20260713+nightly
codegen_flags: <defaults>
</compile_context>

<pallas_src>
import functools

import jax
import jax.numpy as jnp
from jax import lax
from jax.experimental import pallas as pl
from jax.experimental.pallas import tpu as pltpu
from jax.experimental.pallas import tpu_sc as plsc

B, N, DIMS = 8, 4096, 3
C_IN, C_OUT, K, P = 64, 128, 16, 1024
C_MID = C_OUT // 4
C_HALF = C_OUT // 2
C_CAT = C_MID + C_HALF
DM = 2
BIG_I = 2**30


def _elu(x):
    return jnp.where(x > 0, x, jnp.exp(jnp.minimum(x, 0.0)) - 1.0)



def _fps_body(xt_ref, rep_ref, dist_ref):
    x = xt_ref[0]
    y = xt_ref[1]
    z = xt_ref[2]
    iota = lax.broadcasted_iota(jnp.int32, (B, N), 1)
    lane_iota = lax.broadcasted_iota(jnp.int32, (B, 128), 1)
    dist_ref[...] = jnp.full((B, N), 1e10, jnp.float32)
    far = jnp.zeros((B, 1), jnp.int32)

    def body(j, st):
        far, ax, ay, az = st
        onehot = iota == far
        cx = jnp.sum(jnp.where(onehot, x, 0.0), axis=1, keepdims=True)
        cy = jnp.sum(jnp.where(onehot, y, 0.0), axis=1, keepdims=True)
        cz = jnp.sum(jnp.where(onehot, z, 0.0), axis=1, keepdims=True)
        sel = lane_iota == j
        ax = jnp.where(sel, cx, ax)
        ay = jnp.where(sel, cy, ay)
        az = jnp.where(sel, cz, az)
        dx = x - cx
        dy = y - cy
        dz = z - cz
        d = (dx * dx + dy * dy) + dz * dz
        nd = jnp.minimum(dist_ref[...], d)
        dist_ref[...] = nd
        mx = jnp.max(nd, axis=1, keepdims=True)
        far_new = jnp.min(jnp.where(nd == mx, iota, BIG_I), axis=1,
                          keepdims=True)
        return far_new, ax, ay, az

    zcol = jnp.zeros((B, 128), jnp.float32)
    for c in range(P // 128):
        far, ax, ay, az = lax.fori_loop(0, 128, body, (far, zcol, zcol, zcol))
        rep_ref[0, :, c * 128:(c + 1) * 128] = ax
        rep_ref[1, :, c * 128:(c + 1) * 128] = ay
        rep_ref[2, :, c * 128:(c + 1) * 128] = az


def _run_fps(pts):
    xt = pts.transpose(2, 0, 1)
    rep_t = pl.pallas_call(
        _fps_body,
        out_shape=jax.ShapeDtypeStruct((3, B, P), jnp.float32),
        scratch_shapes=[pltpu.VMEM((B, N), jnp.float32)],
    )(xt)
    return rep_t.transpose(1, 2, 0)



def _dense_body(fts_ref, w_ref, b_ref, out_ref):
    out_ref[...] = _elu(
        jnp.dot(fts_ref[...], w_ref[...],
                preferred_element_type=jnp.float32) + b_ref[...])


def _run_dense(fts, W_dense, b_dense):
    fts2 = fts.reshape(B * N, C_IN)
    nb = 8
    blk = (B * N) // nb
    out = pl.pallas_call(
        _dense_body,
        grid=(nb,),
        in_specs=[
            pl.BlockSpec((blk, C_IN), lambda i: (i, 0)),
            pl.BlockSpec((C_IN, C_HALF), lambda i: (0, 0)),
            pl.BlockSpec((1, C_HALF), lambda i: (0, 0)),
        ],
        out_specs=pl.BlockSpec((blk, C_HALF), lambda i: (i, 0)),
        out_shape=jax.ShapeDtypeStruct((B * N, C_HALF), jnp.float32),
        compiler_params=pltpu.CompilerParams(
            dimension_semantics=("parallel",)),
    )(fts2, W_dense, b_dense.reshape(1, C_HALF))
    return out



PB_KNN = 256


def _knn_body(xt_ref, rep_ref, idx_ref):
    b = pl.program_id(0)
    pb = pl.program_id(1)
    x = xt_ref[b, 0:1, :]
    y = xt_ref[b, 1:2, :]
    z = xt_ref[b, 2:3, :]
    r = rep_ref[b, pl.ds(pb * PB_KNN, PB_KNN), :]
    rx = r[:, 0:1]
    ry = r[:, 1:2]
    rz = r[:, 2:3]
    dx = rx - x
    dy = ry - y
    dz = rz - z
    d2 = (dx * dx + dy * dy) + dz * dz
    iota = lax.broadcasted_iota(jnp.int32, (PB_KNN, N), 1)
    cols = []
    for _ in range(K):
        mn = jnp.min(d2, axis=1, keepdims=True)
        sel = jnp.min(jnp.where(d2 == mn, iota, BIG_I), axis=1,
                      keepdims=True)
        cols.append(sel)
        d2 = jnp.where(iota == sel, jnp.float32(jnp.inf), d2)
    idx = jnp.concatenate(cols, axis=1)
    idx_ref[0] = idx + b * N


def _run_knn(pts, rep):
    xt = pts.transpose(0, 2, 1)
    idx = pl.pallas_call(
        _knn_body,
        grid=(B, P // PB_KNN),
        in_specs=[
            pl.BlockSpec((B, 3, N), lambda b, p: (0, 0, 0)),
            pl.BlockSpec((B, P, 3), lambda b, p: (0, 0, 0)),
        ],
        out_specs=pl.BlockSpec((1, PB_KNN, K), lambda b, p: (b, p, 0)),
        out_shape=jax.ShapeDtypeStruct((B, P, K), jnp.int32),
        compiler_params=pltpu.CompilerParams(
            dimension_semantics=("parallel", "parallel")),
    )(xt, rep)
    return idx.reshape(B * P * K)



_SC_CHUNK = 1024


def _sc_gather_body(ftsd_hbm, ptsp_hbm, idx_hbm, fts_out, pts_out,
                    idx_v, fts_buf, pts_buf, sem_a, sem_b):
    info = plsc.get_sparse_core_info()
    nw = info.num_cores * info.num_subcores
    wid = lax.axis_index("s") * info.num_cores + lax.axis_index("c")
    rows_per_w = (B * P * K) // nw
    nch = rows_per_w // _SC_CHUNK
    for ch in range(nch):
        base = wid * rows_per_w + ch * _SC_CHUNK
        pltpu.sync_copy(idx_hbm.at[pl.ds(base, _SC_CHUNK)], idx_v)
        cpa = pltpu.async_copy(ftsd_hbm.at[idx_v], fts_buf, sem_a)
        cpb = pltpu.async_copy(ptsp_hbm.at[idx_v], pts_buf, sem_b)
        cpa.wait()
        cpb.wait()
        pltpu.sync_copy(fts_buf, fts_out.at[pl.ds(base, _SC_CHUNK)])
        pltpu.sync_copy(pts_buf, pts_out.at[pl.ds(base, _SC_CHUNK)])


def _run_gather(idx_flat, pts_pad_flat, ftsd_flat):
    mesh = plsc.VectorSubcoreMesh(core_axis_name="c", subcore_axis_name="s")
    f = functools.partial(
        pl.kernel,
        mesh=mesh,
        compiler_params=pltpu.CompilerParams(use_tc_tiling_on_sc=False),
        out_type=(
            jax.ShapeDtypeStruct((B * P * K, C_HALF), jnp.float32),
            jax.ShapeDtypeStruct((B * P * K, 16), jnp.float32),
        ),
        scratch_types=[
            pltpu.VMEM((_SC_CHUNK,), jnp.int32),
            pltpu.VMEM((_SC_CHUNK, C_HALF), jnp.float32),
            pltpu.VMEM((_SC_CHUNK, 16), jnp.float32),
            pltpu.SemaphoreType.DMA,
            pltpu.SemaphoreType.DMA,
        ],
    )(_sc_gather_body)
    fts_reg, pts_reg = f(ftsd_flat, pts_pad_flat, idx_flat)
    return pts_reg, fts_reg



PB_X = 128


def _xconv_body(ptsr_ref, ftsr_ref, rep_ref, wd1_ref, wd2_ref, wc_ref,
                wbd1_ref, wbd2_ref, wsd_ref, wspa_ref, wspb_ref,
                bd1_ref, bd2_ref, bc_ref, bdc1_ref, bdc2_ref, bsd_ref,
                bsp_ref, out_ref):
    p3 = ptsr_ref[...].reshape(PB_X, K, 16)[:, :, 0:3]
    rep = rep_ref[...]
    ptsl = p3 - rep[:, None, 0:3]
    pl2 = ptsl.reshape(PB_X * K, 3)
    l1 = _elu(jnp.dot(pl2, wd1_ref[...],
                      preferred_element_type=jnp.float32) + bd1_ref[...])
    lift = _elu(jnp.dot(l1, wd2_ref[...],
                        preferred_element_type=jnp.float32) + bd2_ref[...])
    lift = lift.reshape(PB_X, K, C_MID)
    pflat = ptsl.reshape(PB_X, K * 3)
    x0 = _elu(jnp.dot(pflat, wc_ref[...],
                      preferred_element_type=jnp.float32) + bc_ref[...])
    x1 = _elu(jnp.dot(x0, wbd1_ref[...],
                      preferred_element_type=jnp.float32) + bdc1_ref[...])
    x2 = jnp.dot(x1, wbd2_ref[...],
                 preferred_element_type=jnp.float32) + bdc2_ref[...]
    cat = jnp.concatenate([lift, ftsr_ref[...].reshape(PB_X, K, C_HALF)],
                          axis=2)
    fX = jax.lax.dot_general(
        x2.reshape(PB_X, K, K), cat,
        dimension_numbers=(((2,), (1,)), ((0,), (0,))),
        preferred_element_type=jnp.float32)
    rows = [fX[:, i, :] for i in range(K)]
    dwa = rows[0] * wsd_ref[0, 0:1, :]
    dwb = rows[0] * wsd_ref[0, 1:2, :]
    for k in range(1, K):
        dwa = dwa + rows[k] * wsd_ref[k, 0:1, :]
        dwb = dwb + rows[k] * wsd_ref[k, 1:2, :]
    dwa = dwa + bsd_ref[0, 0:1, :]
    dwb = dwb + bsd_ref[0, 1:2, :]
    out = (jnp.dot(dwa, wspa_ref[...], preferred_element_type=jnp.float32)
           + jnp.dot(dwb, wspb_ref[...], preferred_element_type=jnp.float32)
           + bsp_ref[...])
    out_ref[...] = _elu(out)


def _run_xconv(pts_reg, fts_reg, rep, W_d1, b_d1, W_d2, b_d2, W_conv, b_conv,
               W_dc1, b_dc1, W_dc2, b_dc2, W_sd, b_sd, W_sp, b_sp):
    wc = W_conv.transpose(2, 1, 0).reshape(K * 3, K * K)
    eye = jnp.eye(K, dtype=jnp.float32)
    wbd1 = jnp.einsum('gmk,gh->kghm', W_dc1, eye).reshape(K * K, K * K)
    wbd2 = jnp.einsum('gmk,gh->kghm', W_dc2, eye).reshape(K * K, K * K)
    wsd = W_sd.transpose(2, 1, 0)
    wspa = W_sp[0::2]
    wspb = W_sp[1::2]
    bsd = b_sd.reshape(C_CAT, DM).transpose(1, 0).reshape(1, DM, C_CAT)
    rep_pad = jnp.pad(rep.reshape(B * P, 3), ((0, 0), (0, 1)))

    nb = (B * P) // PB_X
    wspec = lambda shape: pl.BlockSpec(shape, lambda i: (0,) * len(shape))
    out = pl.pallas_call(
        _xconv_body,
        grid=(nb,),
        in_specs=[
            pl.BlockSpec((PB_X, K * 16), lambda i: (i, 0)),
            pl.BlockSpec((PB_X, K * C_HALF), lambda i: (i, 0)),
            pl.BlockSpec((PB_X, 4), lambda i: (i, 0)),
            wspec((3, C_MID)), wspec((C_MID, C_MID)),
            wspec((K * 3, K * K)), wspec((K * K, K * K)),
            wspec((K * K, K * K)), wspec((K, DM, C_CAT)),
            wspec((C_CAT, C_OUT)), wspec((C_CAT, C_OUT)),
            wspec((1, C_MID)), wspec((1, C_MID)), wspec((1, K * K)),
            wspec((1, K * K)), wspec((1, K * K)), wspec((1, DM, C_CAT)),
            wspec((1, C_OUT)),
        ],
        out_specs=pl.BlockSpec((PB_X, C_OUT), lambda i: (i, 0)),
        out_shape=jax.ShapeDtypeStruct((B * P, C_OUT), jnp.float32),
        compiler_params=pltpu.CompilerParams(
            dimension_semantics=("parallel",)),
    )(pts_reg.reshape(B * P, K * 16), fts_reg.reshape(B * P, K * C_HALF),
      rep_pad, W_d1, W_d2, wc, wbd1, wbd2, wsd, wspa, wspb,
      b_d1.reshape(1, C_MID), b_d2.reshape(1, C_MID),
      b_conv.reshape(1, K * K), b_dc1.reshape(1, K * K),
      b_dc2.reshape(1, K * K), bsd, b_sp.reshape(1, C_OUT))
    return out.reshape(B, P, C_OUT)



@jax.jit
def kernel(pts, fts, W_dense, b_dense, W_d1, b_d1, W_d2, b_d2, W_conv,
           b_conv, W_dc1, b_dc1, W_dc2, b_dc2, W_sd, b_sd, W_sp, b_sp):
    rep = _run_fps(pts)
    ftsd = _run_dense(fts, W_dense, b_dense)
    idx_flat = _run_knn(pts, rep)
    pts_pad = jnp.pad(pts.reshape(B * N, 3), ((0, 0), (0, 13)))
    pts_reg, fts_reg = _run_gather(idx_flat, pts_pad, ftsd)
    fts_p = _run_xconv(pts_reg, fts_reg, rep, W_d1, b_d1, W_d2, b_d2,
                       W_conv, b_conv, W_dc1, b_dc1, W_dc2, b_dc2,
                       W_sd, b_sd, W_sp, b_sp)
    return rep, fts_p

# --- scband reference (transcript-rebuilt; emitter-appended) ---
"""Pipeline reference for scband-fps-point-cnn-24584392802804 (READ-ONLY COPY).

The authoritative reference and input builder live on the scoring server;
editing this copy changes nothing except your own understanding.
"""

import jax, jax.numpy as jnp
import numpy as np

B, N, DIMS = 8, 4096, 3
C_IN, C_OUT, K, P = 64, 128, 16, 1024
C_MID = C_OUT // 4
DM = min(int(np.ceil(C_OUT / C_IN)), 4)
C_HALF = C_OUT // 2
C_CAT = C_MID + C_HALF


def setup_inputs(seed: int = 0):
    key = jax.random.key(seed)
    ks = jax.random.split(key, 12)
    s = 0.05
    return {
        "pts": jax.random.normal(ks[0], (B, N, DIMS), jnp.float32),
        "fts": jax.random.normal(ks[1], (B, N, C_IN), jnp.float32),
        "W_dense": jax.random.normal(ks[2], (C_IN, C_HALF), jnp.float32) * s,
        "b_dense": jnp.zeros((C_HALF,), jnp.float32),
        "W_d1": jax.random.normal(ks[3], (DIMS, C_MID), jnp.float32) * s,
        "b_d1": jnp.zeros((C_MID,), jnp.float32),
        "W_d2": jax.random.normal(ks[4], (C_MID, C_MID), jnp.float32) * s,
        "b_d2": jnp.zeros((C_MID,), jnp.float32),
        "W_conv": jax.random.normal(ks[5], (K * K, DIMS, K), jnp.float32) * s,
        "b_conv": jnp.zeros((K * K,), jnp.float32),
        "W_dc1": jax.random.normal(ks[6], (K, K, K), jnp.float32) * s,
        "b_dc1": jnp.zeros((K * K,), jnp.float32),
        "W_dc2": jax.random.normal(ks[7], (K, K, K), jnp.float32) * s,
        "b_dc2": jnp.zeros((K * K,), jnp.float32),
        "W_sd": jax.random.normal(ks[8], (C_CAT, DM, K), jnp.float32) * s,
        "b_sd": jnp.zeros((C_CAT * DM,), jnp.float32),
        "W_sp": jax.random.normal(ks[9], (C_CAT * DM, C_OUT), jnp.float32) * s,
        "b_sp": jnp.zeros((C_OUT,), jnp.float32),
    }


def _fps_idx(xyz, npoint):
    b, n, _ = xyz.shape

    def body(i, state):
        cen, dist, far = state
        cen = cen.at[:, i].set(far)
        c = jnp.take_along_axis(xyz, far[:, None, None], axis=1)
        d = jnp.sum((xyz - c) ** 2, -1)
        dist = jnp.minimum(dist, d)
        far = jnp.argmax(dist, -1).astype(jnp.int32)
        return cen, dist, far

    cen0 = jnp.zeros((b, npoint), jnp.int32)
    dist0 = jnp.full((b, n), 1e10, xyz.dtype)
    far0 = jnp.zeros((b,), jnp.int32)
    cen, _, _ = jax.lax.fori_loop(0, npoint, body, (cen0, dist0, far0))
    return cen


def _gather(a, i):
    return jax.vmap(lambda x, y: x[y])(a, i)


def _forward(pts, fts, W_dense, b_dense, W_d1, b_d1, W_d2, b_d2, W_conv, b_conv,
             W_dc1, b_dc1, W_dc2, b_dc2, W_sd, b_sd, W_sp, b_sp):
    # FPS (index selection is non-differentiable, like torch)
    cen = _fps_idx(jax.lax.stop_gradient(pts), P)
    rep_pts = jnp.take_along_axis(pts, cen[:, :, None], axis=1)  # [B,P,3]
    # PointCNN dense on features (Linear + ELU)
    fts_d = jax.nn.elu(fts @ W_dense + b_dense)  # [B,N,C_HALF]
    # brute-force KNN of pts around rep_pts
    rp = jax.lax.stop_gradient(rep_pts)
    pp = jax.lax.stop_gradient(pts)
    d2 = jnp.sum((rp[:, :, None, :] - pp[:, None, :, :]) ** 2, -1)  # [B,P,N]
    _, idx = jax.lax.top_k(-d2, K)  # [B,P,K]
    pts_reg = _gather(pts, idx)    # [B,P,K,3]
    fts_reg = _gather(fts_d, idx)  # [B,P,K,C_HALF]
    # XConv
    pts_local = pts_reg - rep_pts[:, :, None, :]  # [B,P,K,3]
    lift = jax.nn.elu(jax.nn.elu(pts_local @ W_d1 + b_d1) @ W_d2 + b_d2)  # [B,P,K,C_MID]
    fts_cat = jnp.concatenate([lift, fts_reg], -1)  # [B,P,K,C_CAT]
    # Conv(3 -> K*K, kernel (1,K)) + ELU, channels-last
    X = jax.nn.elu(jnp.einsum('bpkc,ock->bpo', pts_local, W_conv) + b_conv).reshape(B, P, K, K)
    # depthwise conv 1 (groups=K, mult=K, kernel (1,K)) + ELU
    X = jax.nn.elu(jnp.einsum('bpkg,gmk->bpgm', X, W_dc1).reshape(B, P, K * K) + b_dc1).reshape(B, P, K, K)
    # depthwise conv 2, no activation
    X = (jnp.einsum('bpkg,gmk->bpgm', X, W_dc2).reshape(B, P, K * K) + b_dc2).reshape(B, P, K, K)
    # X-transform matmul
    fts_X = jnp.einsum('bpij,bpjc->bpic', X, fts_cat)  # [B,P,K,C_CAT]
    # SepConv: depthwise (kernel (1,K), mult=DM) then pointwise 1x1 to C_OUT, + ELU
    dw = jnp.einsum('bpkc,cmk->bpcm', fts_X, W_sd).reshape(B, P, C_CAT * DM) + b_sd
    fts_p = jax.nn.elu(dw @ W_sp + b_sp)  # [B,P,C_OUT]
    return rep_pts, fts_p


def reference(pts, fts, W_dense, b_dense, W_d1, b_d1, W_d2, b_d2, W_conv, b_conv,
              W_dc1, b_dc1, W_dc2, b_dc2, W_sd, b_sd, W_sp, b_sp):
    return _forward(pts, fts, W_dense, b_dense, W_d1, b_d1, W_d2, b_d2, W_conv, b_conv,
                    W_dc1, b_dc1, W_dc2, b_dc2, W_sd, b_sd, W_sp, b_sp)

if __name__ == "__main__":
    import jax
    _d = setup_inputs()
    print(jax.jit(kernel)(*tuple(_d.values())))

</pallas_src>

<mosaic_0001>
#map = affine_map<(d0, d1) -> (0, 0)>
#map1 = affine_map<(d0, d1) -> (0)>
module attributes {stable_mosaic.version = 14 : i64} {
  func.func @_sc_gather_body(%arg0: i32, %arg1: i32, %arg2: memref<32768x64xf32, #tpu.memory_space<hbm>>, %arg3: memref<32768x16xf32, #tpu.memory_space<hbm>>, %arg4: memref<131072xi32, #tpu.memory_space<hbm>>, %arg5: memref<131072x64xf32, #tpu.memory_space<hbm>>, %arg6: memref<131072x16xf32, #tpu.memory_space<hbm>>, %arg7: memref<1024xi32, #tpu.memory_space<vmem>>, %arg8: memref<1024x64xf32, #tpu.memory_space<vmem>>, %arg9: memref<1024x16xf32, #tpu.memory_space<vmem>>, %arg10: memref<!tpu.dma_semaphore, #tpu.memory_space<semaphore_mem>>, %arg11: memref<!tpu.dma_semaphore, #tpu.memory_space<semaphore_mem>>) attributes {dimension_semantics = [#tpu.dimension_semantics<core_parallel>, #tpu.dimension_semantics<subcore_parallel>], iteration_bounds = array<i64: 2, 16>, scalar_prefetch = 0 : i64, scratch_operands = 5 : i64, tpu.core_type = #tpu.core_type<sc_vector_subcore>, window_params = [{transform_indices = #map}, {transform_indices = #map}, {transform_indices = #map1}, {transform_indices = #map}, {transform_indices = #map}]} {
    %mul3A = arith.constant 2 : i32
    %mul3A_0 = arith.muli %arg1, %mul3A : i32
    %add3A = arith.addi %mul3A_0, %arg0 : i32
    %mul3A_1 = arith.constant 4096 : i32
    %mul3A_2 = arith.muli %add3A, %mul3A_1 : i32
    %add3A_3 = arith.constant 0 : i32
    %add3A_4 = arith.addi %mul3A_2, %add3A_3 : i32
    "tpu.region"() ({
      %run_scoped3A = tpu.sem_alloc : memref<!tpu.dma_semaphore, #tpu.memory_space<semaphore_mem>>
      %dma_start3A_63 = tpu.memref_slice %arg4[%add3A_4] : memref<131072xi32, #tpu.memory_space<hbm>> -> memref<1024xi32, #tpu.memory_space<hbm>>
      %dma_start3A_64 = tpu.memref_slice %arg4[%add3A_4] : memref<131072xi32, #tpu.memory_space<hbm>> -> memref<1024xi32, #tpu.memory_space<hbm>>
      tpu.enqueue_dma source(%dma_start3A_64 : memref<1024xi32, #tpu.memory_space<hbm>>) target(%arg7 : memref<1024xi32, #tpu.memory_space<vmem>>) target_semaphore(%run_scoped3A : memref<!tpu.dma_semaphore, #tpu.memory_space<semaphore_mem>>)
      %dma_wait3A_65 = tpu.memref_slice %arg4[%add3A_4] : memref<131072xi32, #tpu.memory_space<hbm>> -> memref<1024xi32, #tpu.memory_space<hbm>>
      %dma_wait3A_66 = tpu.memref_slice %arg4[%add3A_4] : memref<131072xi32, #tpu.memory_space<hbm>> -> memref<1024xi32, #tpu.memory_space<hbm>>
      tpu.wait_dma2 semaphore(%run_scoped3A : memref<!tpu.dma_semaphore, #tpu.memory_space<semaphore_mem>>) src(%dma_wait3A_66 : memref<1024xi32, #tpu.memory_space<hbm>>) dst(%arg7 : memref<1024xi32, #tpu.memory_space<vmem>>)
      tpu.yield
    }) : () -> ()
    %dma_start3A = arith.constant 0 : i32
    %dma_start3A_5 = arith.constant 0 : i32
    %dma_start3A_6 = tpu.memref_slice %arg2[%dma_start3A, %dma_start3A_5] : memref<32768x64xf32, #tpu.memory_space<hbm>> -> memref<32768x64xf32, #tpu.memory_space<hbm>>
    tpu.enqueue_indirect_dma source(%dma_start3A_6 : memref<32768x64xf32, #tpu.memory_space<hbm>>) target(%arg8 : memref<1024x64xf32, #tpu.memory_space<vmem>>) offsets(%arg7 : memref<1024xi32, #tpu.memory_space<vmem>>) semaphore(%arg10 : memref<!tpu.dma_semaphore, #tpu.memory_space<semaphore_mem>>)
    %dma_start3A_7 = arith.constant 0 : i32
    %dma_start3A_8 = arith.constant 0 : i32
    %dma_start3A_9 = tpu.memref_slice %arg3[%dma_start3A_7, %dma_start3A_8] : memref<32768x16xf32, #tpu.memory_space<hbm>> -> memref<32768x16xf32, #tpu.memory_space<hbm>>
    tpu.enqueue_indirect_dma source(%dma_start3A_9 : memref<32768x16xf32, #tpu.memory_space<hbm>>) target(%arg9 : memref<1024x16xf32, #tpu.memory_space<vmem>>) offsets(%arg7 : memref<1024xi32, #tpu.memory_space<vmem>>) semaphore(%arg11 : memref<!tpu.dma_semaphore, #tpu.memory_space<semaphore_mem>>)
    %dma_wait3A = arith.constant 0 : i32
    %dma_wait3A_10 = arith.constant 0 : i32
    %dma_wait3A_11 = tpu.memref_slice %arg2[%dma_wait3A, %dma_wait3A_10] : memref<32768x64xf32, #tpu.memory_space<hbm>> -> memref<32768x64xf32, #tpu.memory_space<hbm>>
    tpu.wait_indirect_dma semaphore(%arg10 : memref<!tpu.dma_semaphore, #tpu.memory_space<semaphore_mem>>) src(%dma_wait3A_11 : memref<32768x64xf32, #tpu.memory_space<hbm>>) dst(%arg8 : memref<1024x64xf32, #tpu.memory_space<vmem>>)
    %dma_wait3A_12 = arith.constant 0 : i32
    %dma_wait3A_13 = arith.constant 0 : i32
    %dma_wait3A_14 = tpu.memref_slice %arg3[%dma_wait3A_12, %dma_wait3A_13] : memref<32768x16xf32, #tpu.memory_space<hbm>> -> memref<32768x16xf32, #tpu.memory_space<hbm>>
    tpu.wait_indirect_dma semaphore(%arg11 : memref<!tpu.dma_semaphore, #tpu.memory_space<semaphore_mem>>) src(%dma_wait3A_14 : memref<32768x16xf32, #tpu.memory_space<hbm>>) dst(%arg9 : memref<1024x16xf32, #tpu.memory_space<vmem>>)
    "tpu.region"() ({
      %run_scoped3A = tpu.sem_alloc : memref<!tpu.dma_semaphore, #tpu.memory_space<semaphore_mem>>
      %dma_start3A_63 = arith.constant 0 : i32
      %dma_start3A_64 = tpu.memref_slice %arg5[%add3A_4, %dma_start3A_63] : memref<131072x64xf32, #tpu.memory_space<hbm>> -> memref<1024x64xf32, #tpu.memory_space<hbm>>
      %dma_start3A_65 = arith.constant 0 : i32
      %dma_start3A_66 = tpu.memref_slice %arg5[%add3A_4, %dma_start3A_65] : memref<131072x64xf32, #tpu.memory_space<hbm>> -> memref<1024x64xf32, #tpu.memory_space<hbm>>
      tpu.enqueue_dma source(%arg8 : memref<1024x64xf32, #tpu.memory_space<vmem>>) target(%dma_start3A_66 : memref<1024x64xf32, #tpu.memory_space<hbm>>) target_semaphore(%run_scoped3A : memref<!tpu.dma_semaphore, #tpu.memory_space<semaphore_mem>>)
      %dma_wait3A_67 = arith.constant 0 : i32
      %dma_wait3A_68 = tpu.memref_slice %arg5[%add3A_4, %dma_wait3A_67] : memref<131072x64xf32, #tpu.memory_space<hbm>> -> memref<1024x64xf32, #tpu.memory_space<hbm>>
      %dma_wait3A_69 = arith.constant 0 : i32
      %dma_wait3A_70 = tpu.memref_slice %arg5[%add3A_4, %dma_wait3A_69] : memref<131072x64xf32, #tpu.memory_space<hbm>> -> memref<1024x64xf32, #tpu.memory_space<hbm>>
      tpu.wait_dma2 semaphore(%run_scoped3A : memref<!tpu.dma_semaphore, #tpu.memory_space<semaphore_mem>>) src(%arg8 : memref<1024x64xf32, #tpu.memory_space<vmem>>) dst(%dma_wait3A_70 : memref<1024x64xf32, #tpu.memory_space<hbm>>)
      tpu.yield
    }) : () -> ()
    "tpu.region"() ({
      %run_scoped3A = tpu.sem_alloc : memref<!tpu.dma_semaphore, #tpu.memory_space<semaphore_mem>>
      %dma_start3A_63 = arith.constant 0 : i32
      %dma_start3A_64 = tpu.memref_slice %arg6[%add3A_4, %dma_start3A_63] : memref<131072x16xf32, #tpu.memory_space<hbm>> -> memref<1024x16xf32, #tpu.memory_space<hbm>>
      %dma_start3A_65 = arith.constant 0 : i32
      %dma_start3A_66 = tpu.memref_slice %arg6[%add3A_4, %dma_start3A_65] : memref<131072x16xf32, #tpu.memory_space<hbm>> -> memref<1024x16xf32, #tpu.memory_space<hbm>>
      tpu.enqueue_dma source(%arg9 : memref<1024x16xf32, #tpu.memory_space<vmem>>) target(%dma_start3A_66 : memref<1024x16xf32, #tpu.memory_space<hbm>>) target_semaphore(%run_scoped3A : memref<!tpu.dma_semaphore, #tpu.memory_space<semaphore_mem>>)
      %dma_wait3A_67 = arith.constant 0 : i32
      %dma_wait3A_68 = tpu.memref_slice %arg6[%add3A_4, %dma_wait3A_67] : memref<131072x16xf32, #tpu.memory_space<hbm>> -> memref<1024x16xf32, #tpu.memory_space<hbm>>
      %dma_wait3A_69 = arith.constant 0 : i32
      %dma_wait3A_70 = tpu.memref_slice %arg6[%add3A_4, %dma_wait3A_69] : memref<131072x16xf32, #tpu.memory_space<hbm>> -> memref<1024x16xf32, #tpu.memory_space<hbm>>
      tpu.wait_dma2 semaphore(%run_scoped3A : memref<!tpu.dma_semaphore, #tpu.memory_space<semaphore_mem>>) src(%arg9 : memref<1024x16xf32, #tpu.memory_space<vmem>>) dst(%dma_wait3A_70 : memref<1024x16xf32, #tpu.memory_space<hbm>>)
      tpu.yield
    }) : () -> ()
    %mul3A_15 = arith.constant 4096 : i32
    %mul3A_16 = arith.muli %add3A, %mul3A_15 : i32
    %add3A_17 = arith.constant 1024 : i32
    %add3A_18 = arith.addi %mul3A_16, %add3A_17 : i32
    "tpu.region"() ({
      %run_scoped3A = tpu.sem_alloc : memref<!tpu.dma_semaphore, #tpu.memory_space<semaphore_mem>>
      %dma_start3A_63 = tpu.memref_slice %arg4[%add3A_18] : memref<131072xi32, #tpu.memory_space<hbm>> -> memref<1024xi32, #tpu.memory_space<hbm>>
      %dma_start3A_64 = tpu.memref_slice %arg4[%add3A_18] : memref<131072xi32, #tpu.memory_space<hbm>> -> memref<1024xi32, #tpu.memory_space<hbm>>
      tpu.enqueue_dma source(%dma_start3A_64 : memref<1024xi32, #tpu.memory_space<hbm>>) target(%arg7 : memref<1024xi32, #tpu.memory_space<vmem>>) target_semaphore(%run_scoped3A : memref<!tpu.dma_semaphore, #tpu.memory_space<semaphore_mem>>)
      %dma_wait3A_65 = tpu.memref_slice %arg4[%add3A_18] : memref<131072xi32, #tpu.memory_space<hbm>> -> memref<1024xi32, #tpu.memory_space<hbm>>
      %dma_wait3A_66 = tpu.memref_slice %arg4[%add3A_18] : memref<131072xi32, #tpu.memory_space<hbm>> -> memref<1024xi32, #tpu.memory_space<hbm>>
      tpu.wait_dma2 semaphore(%run_scoped3A : memref<!tpu.dma_semaphore, #tpu.memory_space<semaphore_mem>>) src(%dma_wait3A_66 : memref<1024xi32, #tpu.memory_space<hbm>>) dst(%arg7 : memref<1024xi32, #tpu.memory_space<vmem>>)
      tpu.yield
    }) : () -> ()
    %dma_start3A_19 = arith.constant 0 : i32
    %dma_start3A_20 = arith.constant 0 : i32
    %dma_start3A_21 = tpu.memref_slice %arg2[%dma_start3A_19, %dma_start3A_20] : memref<32768x64xf32, #tpu.memory_space<hbm>> -> memref<32768x64xf32, #tpu.memory_space<hbm>>
    tpu.enqueue_indirect_dma source(%dma_start3A_21 : memref<32768x64xf32, #tpu.memory_space<hbm>>) target(%arg8 : memref<1024x64xf32, #tpu.memory_space<vmem>>) offsets(%arg7 : memref<1024xi32, #tpu.memory_space<vmem>>) semaphore(%arg10 : memref<!tpu.dma_semaphore, #tpu.memory_space<semaphore_mem>>)
    %dma_start3A_22 = arith.constant 0 : i32
    %dma_start3A_23 = arith.constant 0 : i32
    %dma_start3A_24 = tpu.memref_slice %arg3[%dma_start3A_22, %dma_start3A_23] : memref<32768x16xf32, #tpu.memory_space<hbm>> -> memref<32768x16xf32, #tpu.memory_space<hbm>>
    tpu.enqueue_indirect_dma source(%dma_start3A_24 : memref<32768x16xf32, #tpu.memory_space<hbm>>) target(%arg9 : memref<1024x16xf32, #tpu.memory_space<vmem>>) offsets(%arg7 : memref<1024xi32, #tpu.memory_space<vmem>>) semaphore(%arg11 : memref<!tpu.dma_semaphore, #tpu.memory_space<semaphore_mem>>)
    %dma_wait3A_25 = arith.constant 0 : i32
    %dma_wait3A_26 = arith.constant 0 : i32
    %dma_wait3A_27 = tpu.memref_slice %arg2[%dma_wait3A_25, %dma_wait3A_26] : memref<32768x64xf32, #tpu.memory_space<hbm>> -> memref<32768x64xf32, #tpu.memory_space<hbm>>
    tpu.wait_indirect_dma semaphore(%arg10 : memref<!tpu.dma_semaphore, #tpu.memory_space<semaphore_mem>>) src(%dma_wait3A_27 : memref<32768x64xf32, #tpu.memory_space<hbm>>) dst(%arg8 : memref<1024x64xf32, #tpu.memory_space<vmem>>)
    %dma_wait3A_28 = arith.constant 0 : i32
    %dma_wait3A_29 = arith.constant 0 : i32
    %dma_wait3A_30 = tpu.memref_slice %arg3[%dma_wait3A_28, %dma_wait3A_29] : memref<32768x16xf32, #tpu.memory_space<hbm>> -> memref<32768x16xf32, #tpu.memory_space<hbm>>
    tpu.wait_indirect_dma semaphore(%arg11 : memref<!tpu.dma_semaphore, #tpu.memory_space<semaphore_mem>>) src(%dma_wait3A_30 : memref<32768x16xf32, #tpu.memory_space<hbm>>) dst(%arg9 : memref<1024x16xf32, #tpu.memory_space<vmem>>)
    "tpu.region"() ({
      %run_scoped3A = tpu.sem_alloc : memref<!tpu.dma_semaphore, #tpu.memory_space<semaphore_mem>>
      %dma_start3A_63 = arith.constant 0 : i32
      %dma_start3A_64 = tpu.memref_slice %arg5[%add3A_18, %dma_start3A_63] : memref<131072x64xf32, #tpu.memory_space<hbm>> -> memref<1024x64xf32, #tpu.memory_space<hbm>>
      %dma_start3A_65 = arith.constant 0 : i32
      %dma_start3A_66 = tpu.memref_slice %arg5[%add3A_18, %dma_start3A_65] : memref<131072x64xf32, #tpu.memory_space<hbm>> -> memref<1024x64xf32, #tpu.memory_space<hbm>>
      tpu.enqueue_dma source(%arg8 : memref<1024x64xf32, #tpu.memory_space<vmem>>) target(%dma_start3A_66 : memref<1024x64xf32, #tpu.memory_space<hbm>>) target_semaphore(%run_scoped3A : memref<!tpu.dma_semaphore, #tpu.memory_space<semaphore_mem>>)
      %dma_wait3A_67 = arith.constant 0 : i32
      %dma_wait3A_68 = tpu.memref_slice %arg5[%add3A_18, %dma_wait3A_67] : memref<131072x64xf32, #tpu.memory_space<hbm>> -> memref<1024x64xf32, #tpu.memory_space<hbm>>
      %dma_wait3A_69 = arith.constant 0 : i32
      %dma_wait3A_70 = tpu.memref_slice %arg5[%add3A_18, %dma_wait3A_69] : memref<131072x64xf32, #tpu.memory_space<hbm>> -> memref<1024x64xf32, #tpu.memory_space<hbm>>
      tpu.wait_dma2 semaphore(%run_scoped3A : memref<!tpu.dma_semaphore, #tpu.memory_space<semaphore_mem>>) src(%arg8 : memref<1024x64xf32, #tpu.memory_space<vmem>>) dst(%dma_wait3A_70 : memref<1024x64xf32, #tpu.memory_space<hbm>>)
      tpu.yield
    }) : () -> ()
    "tpu.region"() ({
      %run_scoped3A = tpu.sem_alloc : memref<!tpu.dma_semaphore, #tpu.memory_space<semaphore_mem>>
      %dma_start3A_63 = arith.constant 0 : i32
      %dma_start3A_64 = tpu.memref_slice %arg6[%add3A_18, %dma_start3A_63] : memref<131072x16xf32, #tpu.memory_space<hbm>> -> memref<1024x16xf32, #tpu.memory_space<hbm>>
      %dma_start3A_65 = arith.constant 0 : i32
      %dma_start3A_66 = tpu.memref_slice %arg6[%add3A_18, %dma_start3A_65] : memref<131072x16xf32, #tpu.memory_space<hbm>> -> memref<1024x16xf32, #tpu.memory_space<hbm>>
      tpu.enqueue_dma source(%arg9 : memref<1024x16xf32, #tpu.memory_space<vmem>>) target(%dma_start3A_66 : memref<1024x16xf32, #tpu.memory_space<hbm>>) target_semaphore(%run_scoped3A : memref<!tpu.dma_semaphore, #tpu.memory_space<semaphore_mem>>)
      %dma_wait3A_67 = arith.constant 0 : i32
      %dma_wait3A_68 = tpu.memref_slice %arg6[%add3A_18, %dma_wait3A_67] : memref<131072x16xf32, #tpu.memory_space<hbm>> -> memref<1024x16xf32, #tpu.memory_space<hbm>>
      %dma_wait3A_69 = arith.constant 0 : i32
      %dma_wait3A_70 = tpu.memref_slice %arg6[%add3A_18, %dma_wait3A_69] : memref<131072x16xf32, #tpu.memory_space<hbm>> -> memref<1024x16xf32, #tpu.memory_space<hbm>>
      tpu.wait_dma2 semaphore(%run_scoped3A : memref<!tpu.dma_semaphore, #tpu.memory_space<semaphore_mem>>) src(%arg9 : memref<1024x16xf32, #tpu.memory_space<vmem>>) dst(%dma_wait3A_70 : memref<1024x16xf32, #tpu.memory_space<hbm>>)
      tpu.yield
    }) : () -> ()
    %mul3A_31 = arith.constant 4096 : i32
    %mul3A_32 = arith.muli %add3A, %mul3A_31 : i32
    %add3A_33 = arith.constant 2048 : i32
    %add3A_34 = arith.addi %mul3A_32, %add3A_33 : i32
    "tpu.region"() ({
      %run_scoped3A = tpu.sem_alloc : memref<!tpu.dma_semaphore, #tpu.memory_space<semaphore_mem>>
      %dma_start3A_63 = tpu.memref_slice %arg4[%add3A_34] : memref<131072xi32, #tpu.memory_space<hbm>> -> memref<1024xi32, #tpu.memory_space<hbm>>
      %dma_start3A_64 = tpu.memref_slice %arg4[%add3A_34] : memref<131072xi32, #tpu.memory_space<hbm>> -> memref<1024xi32, #tpu.memory_space<hbm>>
      tpu.enqueue_dma source(%dma_start3A_64 : memref<1024xi32, #tpu.memory_space<hbm>>) target(%arg7 : memref<1024xi32, #tpu.memory_space<vmem>>) target_semaphore(%run_scoped3A : memref<!tpu.dma_semaphore, #tpu.memory_space<semaphore_mem>>)
      %dma_wait3A_65 = tpu.memref_slice %arg4[%add3A_34] : memref<131072xi32, #tpu.memory_space<hbm>> -> memref<1024xi32, #tpu.memory_space<hbm>>
      %dma_wait3A_66 = tpu.memref_slice %arg4[%add3A_34] : memref<131072xi32, #tpu.memory_space<hbm>> -> memref<1024xi32, #tpu.memory_space<hbm>>
      tpu.wait_dma2 semaphore(%run_scoped3A : memref<!tpu.dma_semaphore, #tpu.memory_space<semaphore_mem>>) src(%dma_wait3A_66 : memref<1024xi32, #tpu.memory_space<hbm>>) dst(%arg7 : memref<1024xi32, #tpu.memory_space<vmem>>)
      tpu.yield
    }) : () -> ()
    %dma_start3A_35 = arith.constant 0 : i32
    %dma_start3A_36 = arith.constant 0 : i32
    %dma_start3A_37 = tpu.memref_slice %arg2[%dma_start3A_35, %dma_start3A_36] : memref<32768x64xf32, #tpu.memory_space<hbm>> -> memref<32768x64xf32, #tpu.memory_space<hbm>>
    tpu.enqueue_indirect_dma source(%dma_start3A_37 : memref<32768x64xf32, #tpu.memory_space<hbm>>) target(%arg8 : memref<1024x64xf32, #tpu.memory_space<vmem>>) offsets(%arg7 : memref<1024xi32, #tpu.memory_space<vmem>>) semaphore(%arg10 : memref<!tpu.dma_semaphore, #tpu.memory_space<semaphore_mem>>)
    %dma_start3A_38 = arith.constant 0 : i32
    %dma_start3A_39 = arith.constant 0 : i32
    %dma_start3A_40 = tpu.memref_slice %arg3[%dma_start3A_38, %dma_start3A_39] : memref<32768x16xf32, #tpu.memory_space<hbm>> -> memref<32768x16xf32, #tpu.memory_space<hbm>>
    tpu.enqueue_indirect_dma source(%dma_start3A_40 : memref<32768x16xf32, #tpu.memory_space<hbm>>) target(%arg9 : memref<1024x16xf32, #tpu.memory_space<vmem>>) offsets(%arg7 : memref<1024xi32, #tpu.memory_space<vmem>>) semaphore(%arg11 : memref<!tpu.dma_semaphore, #tpu.memory_space<semaphore_mem>>)
    %dma_wait3A_41 = arith.constant 0 : i32
    %dma_wait3A_42 = arith.constant 0 : i32
    %dma_wait3A_43 = tpu.memref_slice %arg2[%dma_wait3A_41, %dma_wait3A_42] : memref<32768x64xf32, #tpu.memory_space<hbm>> -> memref<32768x64xf32, #tpu.memory_space<hbm>>
    tpu.wait_indirect_dma semaphore(%arg10 : memref<!tpu.dma_semaphore, #tpu.memory_space<semaphore_mem>>) src(%dma_wait3A_43 : memref<32768x64xf32, #tpu.memory_space<hbm>>) dst(%arg8 : memref<1024x64xf32, #tpu.memory_space<vmem>>)
    %dma_wait3A_44 = arith.constant 0 : i32
    %dma_wait3A_45 = arith.constant 0 : i32
    %dma_wait3A_46 = tpu.memref_slice %arg3[%dma_wait3A_44, %dma_wait3A_45] : memref<32768x16xf32, #tpu.memory_space<hbm>> -> memref<32768x16xf32, #tpu.memory_space<hbm>>
    tpu.wait_indirect_dma semaphore(%arg11 : memref<!tpu.dma_semaphore, #tpu.memory_space<semaphore_mem>>) src(%dma_wait3A_46 : memref<32768x16xf32, #tpu.memory_space<hbm>>) dst(%arg9 : memref<1024x16xf32, #tpu.memory_space<vmem>>)
    "tpu.region"() ({
      %run_scoped3A = tpu.sem_alloc : memref<!tpu.dma_semaphore, #tpu.memory_space<semaphore_mem>>
      %dma_start3A_63 = arith.constant 0 : i32
      %dma_start3A_64 = tpu.memref_slice %arg5[%add3A_34, %dma_start3A_63] : memref<131072x64xf32, #tpu.memory_space<hbm>> -> memref<1024x64xf32, #tpu.memory_space<hbm>>
      %dma_start3A_65 = arith.constant 0 : i32
      %dma_start3A_66 = tpu.memref_slice %arg5[%add3A_34, %dma_start3A_65] : memref<131072x64xf32, #tpu.memory_space<hbm>> -> memref<1024x64xf32, #tpu.memory_space<hbm>>
      tpu.enqueue_dma source(%arg8 : memref<1024x64xf32, #tpu.memory_space<vmem>>) target(%dma_start3A_66 : memref<1024x64xf32, #tpu.memory_space<hbm>>) target_semaphore(%run_scoped3A : memref<!tpu.dma_semaphore, #tpu.memory_space<semaphore_mem>>)
      %dma_wait3A_67 = arith.constant 0 : i32
      %dma_wait3A_68 = tpu.memref_slice %arg5[%add3A_34, %dma_wait3A_67] : memref<131072x64xf32, #tpu.memory_space<hbm>> -> memref<1024x64xf32, #tpu.memory_space<hbm>>
      %dma_wait3A_69 = arith.constant 0 : i32
      %dma_wait3A_70 = tpu.memref_slice %arg5[%add3A_34, %dma_wait3A_69] : memref<131072x64xf32, #tpu.memory_space<hbm>> -> memref<1024x64xf32, #tpu.memory_space<hbm>>
      tpu.wait_dma2 semaphore(%run_scoped3A : memref<!tpu.dma_semaphore, #tpu.memory_space<semaphore_mem>>) src(%arg8 : memref<1024x64xf32, #tpu.memory_space<vmem>>) dst(%dma_wait3A_70 : memref<1024x64xf32, #tpu.memory_space<hbm>>)
      tpu.yield
    }) : () -> ()
    "tpu.region"() ({
      %run_scoped3A = tpu.sem_alloc : memref<!tpu.dma_semaphore, #tpu.memory_space<semaphore_mem>>
      %dma_start3A_63 = arith.constant 0 : i32
      %dma_start3A_64 = tpu.memref_slice %arg6[%add3A_34, %dma_start3A_63] : memref<131072x16xf32, #tpu.memory_space<hbm>> -> memref<1024x16xf32, #tpu.memory_space<hbm>>
      %dma_start3A_65 = arith.constant 0 : i32
      %dma_start3A_66 = tpu.memref_slice %arg6[%add3A_34, %dma_start3A_65] : memref<131072x16xf32, #tpu.memory_space<hbm>> -> memref<1024x16xf32, #tpu.memory_space<hbm>>
      tpu.enqueue_dma source(%arg9 : memref<1024x16xf32, #tpu.memory_space<vmem>>) target(%dma_start3A_66 : memref<1024x16xf32, #tpu.memory_space<hbm>>) target_semaphore(%run_scoped3A : memref<!tpu.dma_semaphore, #tpu.memory_space<semaphore_mem>>)
      %dma_wait3A_67 = arith.constant 0 : i32
      %dma_wait3A_68 = tpu.memref_slice %arg6[%add3A_34, %dma_wait3A_67] : memref<131072x16xf32, #tpu.memory_space<hbm>> -> memref<1024x16xf32, #tpu.memory_space<hbm>>
      %dma_wait3A_69 = arith.constant 0 : i32
      %dma_wait3A_70 = tpu.memref_slice %arg6[%add3A_34, %dma_wait3A_69] : memref<131072x16xf32, #tpu.memory_space<hbm>> -> memref<1024x16xf32, #tpu.memory_space<hbm>>
      tpu.wait_dma2 semaphore(%run_scoped3A : memref<!tpu.dma_semaphore, #tpu.memory_space<semaphore_mem>>) src(%arg9 : memref<1024x16xf32, #tpu.memory_space<vmem>>) dst(%dma_wait3A_70 : memref<1024x16xf32, #tpu.memory_space<hbm>>)
      tpu.yield
    }) : () -> ()
    %mul3A_47 = arith.constant 4096 : i32
    %mul3A_48 = arith.muli %add3A, %mul3A_47 : i32
    %add3A_49 = arith.constant 3072 : i32
    %add3A_50 = arith.addi %mul3A_48, %add3A_49 : i32
    "tpu.region"() ({
      %run_scoped3A = tpu.sem_alloc : memref<!tpu.dma_semaphore, #tpu.memory_space<semaphore_mem>>
      %dma_start3A_63 = tpu.memref_slice %arg4[%add3A_50] : memref<131072xi32, #tpu.memory_space<hbm>> -> memref<1024xi32, #tpu.memory_space<hbm>>
      %dma_start3A_64 = tpu.memref_slice %arg4[%add3A_50] : memref<131072xi32, #tpu.memory_space<hbm>> -> memref<1024xi32, #tpu.memory_space<hbm>>
      tpu.enqueue_dma source(%dma_start3A_64 : memref<1024xi32, #tpu.memory_space<hbm>>) target(%arg7 : memref<1024xi32, #tpu.memory_space<vmem>>) target_semaphore(%run_scoped3A : memref<!tpu.dma_semaphore, #tpu.memory_space<semaphore_mem>>)
      %dma_wait3A_65 = tpu.memref_slice %arg4[%add3A_50] : memref<131072xi32, #tpu.memory_space<hbm>> -> memref<1024xi32, #tpu.memory_space<hbm>>
      %dma_wait3A_66 = tpu.memref_slice %arg4[%add3A_50] : memref<131072xi32, #tpu.memory_space<hbm>> -> memref<1024xi32, #tpu.memory_space<hbm>>
      tpu.wait_dma2 semaphore(%run_scoped3A : memref<!tpu.dma_semaphore, #tpu.memory_space<semaphore_mem>>) src(%dma_wait3A_66 : memref<1024xi32, #tpu.memory_space<hbm>>) dst(%arg7 : memref<1024xi32, #tpu.memory_space<vmem>>)
      tpu.yield
    }) : () -> ()
    %dma_start3A_51 = arith.constant 0 : i32
    %dma_start3A_52 = arith.constant 0 : i32
    %dma_start3A_53 = tpu.memref_slice %arg2[%dma_start3A_51, %dma_start3A_52] : memref<32768x64xf32, #tpu.memory_space<hbm>> -> memref<32768x64xf32, #tpu.memory_space<hbm>>
    tpu.enqueue_indirect_dma source(%dma_start3A_53 : memref<32768x64xf32, #tpu.memory_space<hbm>>) target(%arg8 : memref<1024x64xf32, #tpu.memory_space<vmem>>) offsets(%arg7 : memref<1024xi32, #tpu.memory_space<vmem>>) semaphore(%arg10 : memref<!tpu.dma_semaphore, #tpu.memory_space<semaphore_mem>>)
    %dma_start3A_54 = arith.constant 0 : i32
    %dma_start3A_55 = arith.constant 0 : i32
    %dma_start3A_56 = tpu.memref_slice %arg3[%dma_start3A_54, %dma_start3A_55] : memref<32768x16xf32, #tpu.memory_space<hbm>> -> memref<32768x16xf32, #tpu.memory_space<hbm>>
    tpu.enqueue_indirect_dma source(%dma_start3A_56 : memref<32768x16xf32, #tpu.memory_space<hbm>>) target(%arg9 : memref<1024x16xf32, #tpu.memory_space<vmem>>) offsets(%arg7 : memref<1024xi32, #tpu.memory_space<vmem>>) semaphore(%arg11 : memref<!tpu.dma_semaphore, #tpu.memory_space<semaphore_mem>>)
    %dma_wait3A_57 = arith.constant 0 : i32
    %dma_wait3A_58 = arith.constant 0 : i32
    %dma_wait3A_59 = tpu.memref_slice %arg2[%dma_wait3A_57, %dma_wait3A_58] : memref<32768x64xf32, #tpu.memory_space<hbm>> -> memref<32768x64xf32, #tpu.memory_space<hbm>>
    tpu.wait_indirect_dma semaphore(%arg10 : memref<!tpu.dma_semaphore, #tpu.memory_space<semaphore_mem>>) src(%dma_wait3A_59 : memref<32768x64xf32, #tpu.memory_space<hbm>>) dst(%arg8 : memref<1024x64xf32, #tpu.memory_space<vmem>>)
    %dma_wait3A_60 = arith.constant 0 : i32
    %dma_wait3A_61 = arith.constant 0 : i32
    %dma_wait3A_62 = tpu.memref_slice %arg3[%dma_wait3A_60, %dma_wait3A_61] : memref<32768x16xf32, #tpu.memory_space<hbm>> -> memref<32768x16xf32, #tpu.memory_space<hbm>>
    tpu.wait_indirect_dma semaphore(%arg11 : memref<!tpu.dma_semaphore, #tpu.memory_space<semaphore_mem>>) src(%dma_wait3A_62 : memref<32768x16xf32, #tpu.memory_space<hbm>>) dst(%arg9 : memref<1024x16xf32, #tpu.memory_space<vmem>>)
    "tpu.region"() ({
      %run_scoped3A = tpu.sem_alloc : memref<!tpu.dma_semaphore, #tpu.memory_space<semaphore_mem>>
      %dma_start3A_63 = arith.constant 0 : i32
      %dma_start3A_64 = tpu.memref_slice %arg5[%add3A_50, %dma_start3A_63] : memref<131072x64xf32, #tpu.memory_space<hbm>> -> memref<1024x64xf32, #tpu.memory_space<hbm>>
      %dma_start3A_65 = arith.constant 0 : i32
      %dma_start3A_66 = tpu.memref_slice %arg5[%add3A_50, %dma_start3A_65] : memref<131072x64xf32, #tpu.memory_space<hbm>> -> memref<1024x64xf32, #tpu.memory_space<hbm>>
      tpu.enqueue_dma source(%arg8 : memref<1024x64xf32, #tpu.memory_space<vmem>>) target(%dma_start3A_66 : memref<1024x64xf32, #tpu.memory_space<hbm>>) target_semaphore(%run_scoped3A : memref<!tpu.dma_semaphore, #tpu.memory_space<semaphore_mem>>)
      %dma_wait3A_67 = arith.constant 0 : i32
      %dma_wait3A_68 = tpu.memref_slice %arg5[%add3A_50, %dma_wait3A_67] : memref<131072x64xf32, #tpu.memory_space<hbm>> -> memref<1024x64xf32, #tpu.memory_space<hbm>>
      %dma_wait3A_69 = arith.constant 0 : i32
      %dma_wait3A_70 = tpu.memref_slice %arg5[%add3A_50, %dma_wait3A_69] : memref<131072x64xf32, #tpu.memory_space<hbm>> -> memref<1024x64xf32, #tpu.memory_space<hbm>>
      tpu.wait_dma2 semaphore(%run_scoped3A : memref<!tpu.dma_semaphore, #tpu.memory_space<semaphore_mem>>) src(%arg8 : memref<1024x64xf32, #tpu.memory_space<vmem>>) dst(%dma_wait3A_70 : memref<1024x64xf32, #tpu.memory_space<hbm>>)
      tpu.yield
    }) : () -> ()
    "tpu.region"() ({
      %run_scoped3A = tpu.sem_alloc : memref<!tpu.dma_semaphore, #tpu.memory_space<semaphore_mem>>
      %dma_start3A_63 = arith.constant 0 : i32
      %dma_start3A_64 = tpu.memref_slice %arg6[%add3A_50, %dma_start3A_63] : memref<131072x16xf32, #tpu.memory_space<hbm>> -> memref<1024x16xf32, #tpu.memory_space<hbm>>
      %dma_start3A_65 = arith.constant 0 : i32
      %dma_start3A_66 = tpu.memref_slice %arg6[%add3A_50, %dma_start3A_65] : memref<131072x16xf32, #tpu.memory_space<hbm>> -> memref<1024x16xf32, #tpu.memory_space<hbm>>
      tpu.enqueue_dma source(%arg9 : memref<1024x16xf32, #tpu.memory_space<vmem>>) target(%dma_start3A_66 : memref<1024x16xf32, #tpu.memory_space<hbm>>) target_semaphore(%run_scoped3A : memref<!tpu.dma_semaphore, #tpu.memory_space<semaphore_mem>>)
      %dma_wait3A_67 = arith.constant 0 : i32
      %dma_wait3A_68 = tpu.memref_slice %arg6[%add3A_50, %dma_wait3A_67] : memref<131072x16xf32, #tpu.memory_space<hbm>> -> memref<1024x16xf32, #tpu.memory_space<hbm>>
      %dma_wait3A_69 = arith.constant 0 : i32
      %dma_wait3A_70 = tpu.memref_slice %arg6[%add3A_50, %dma_wait3A_69] : memref<131072x16xf32, #tpu.memory_space<hbm>> -> memref<1024x16xf32, #tpu.memory_space<hbm>>
      tpu.wait_dma2 semaphore(%run_scoped3A : memref<!tpu.dma_semaphore, #tpu.memory_space<semaphore_mem>>) src(%arg9 : memref<1024x16xf32, #tpu.memory_space<vmem>>) dst(%dma_wait3A_70 : memref<1024x16xf32, #tpu.memory_space<hbm>>)
      tpu.yield
    }) : () -> ()
    return
  }
}

module attributes {stable_mosaic.version = 14 : i64} {
  func.func @_fps_body(%arg0: memref<3x8x4096xf32, #tpu.memory_space<vmem>>, %arg1: memref<3x8x1024xf32, #tpu.memory_space<vmem>>, %arg2: memref<8x4096xf32, #tpu.memory_space<vmem>>) attributes {dimension_semantics = [], scalar_prefetch = 0 : i64, scratch_operands = 1 : i64, tpu.core_type = #tpu.core_type<tc>} {
    %get3A = arith.constant 0 : index
    %get3A_0 = arith.constant 0 : index
    %get3A_1 = arith.constant 0 : index
    %get3A_2 = vector.load %arg0[%get3A, %get3A_0, %get3A_1] : memref<3x8x4096xf32, #tpu.memory_space<vmem>>, vector<1x8x4096xf32>
    %get3A_3 = vector.shape_cast %get3A_2 : vector<1x8x4096xf32> to vector<8x4096xf32>
    %get3A_4 = arith.constant 1 : index
    %get3A_5 = arith.constant 0 : index
    %get3A_6 = arith.constant 0 : index
    %get3A_7 = vector.load %arg0[%get3A_4, %get3A_5, %get3A_6] : memref<3x8x4096xf32, #tpu.memory_space<vmem>>, vector<1x8x4096xf32>
    %get3A_8 = vector.shape_cast %get3A_7 : vector<1x8x4096xf32> to vector<8x4096xf32>
    %get3A_9 = arith.constant 2 : index
    %get3A_10 = arith.constant 0 : index
    %get3A_11 = arith.constant 0 : index
    %get3A_12 = vector.load %arg0[%get3A_9, %get3A_10, %get3A_11] : memref<3x8x4096xf32, #tpu.memory_space<vmem>>, vector<1x8x4096xf32>
    %get3A_13 = vector.shape_cast %get3A_12 : vector<1x8x4096xf32> to vector<8x4096xf32>
    %iota3A = tpu.iota {dimensions = array<i32: 1>} : vector<8x4096xi32>
    %iota3A_14 = tpu.iota {dimensions = array<i32: 1>} : vector<8x128xi32>
    %broadcast_in_dim3A = arith.constant 1.000000e+10 : f32
    %broadcast_in_dim3A_15 = vector.broadcast %broadcast_in_dim3A : f32 to vector<8x4096xf32>
    %swap3A = arith.constant 0 : index
    %swap3A_16 = arith.constant 0 : index
    %swap3A_17 = vector.load %arg2[%swap3A, %swap3A_16] : memref<8x4096xf32, #tpu.memory_space<vmem>>, vector<8x4096xf32>
    tpu.vector_store %arg2[%swap3A, %swap3A_16], %broadcast_in_dim3A_15 {strides = array<i32>} : memref<8x4096xf32, #tpu.memory_space<vmem>>, vector<8x4096xf32>,
    %broadcast_in_dim3A_18 = arith.constant 0 : i32
    %broadcast_in_dim3A_19 = vector.broadcast %broadcast_in_dim3A_18 : i32 to vector<8x1xi32>
    %broadcast_in_dim3A_20 = arith.constant 0.000000e+00 : f32
    %broadcast_in_dim3A_21 = vector.broadcast %broadcast_in_dim3A_20 : f32 to vector<8x128xf32>
    %scan3A = arith.constant 0 : i32
    %scan3A_22 = arith.constant 128 : i32
    %scan3A_23 = arith.addi %scan3A, %scan3A_22 : i32
    %scan3A_24 = arith.constant 1 : i32
    %scan3A_25:4 = scf.for %scan3A_213 = %scan3A to %scan3A_23 step %scan3A_24 iter_args(%scan3A_214 = %broadcast_in_dim3A_19, %scan3A_215 = %broadcast_in_dim3A_21, %scan3A_216 = %broadcast_in_dim3A_21, %scan3A_217 = %broadcast_in_dim3A_21) -> (vector<8x1xi32>, vector<8x128xf32>, vector<8x128xf32>, vector<8x128xf32>)  : i32 {
      %eq3A = vector.broadcast %scan3A_214 : vector<8x1xi32> to vector<8x4096xi32>
      %eq3A_218 = arith.cmpi eq, %iota3A, %eq3A : vector<8x4096xi32>
      %jit3A = arith.constant 0.000000e+00 : f32
      %broadcast_in_dim3A_219 = vector.broadcast %jit3A : f32 to vector<8x4096xf32>
      %select_n3A = arith.select %eq3A_218, %get3A_3, %broadcast_in_dim3A_219 : vector<8x4096xi1>, vector<8x4096xf32>
      %reduce_sum3A = arith.constant dense<0.000000e+00> : vector<8xf32>
      %reduce_sum3A_220 = vector.multi_reduction <add>, %select_n3A, %reduce_sum3A [1] : vector<8x4096xf32> to vector<8xf32>
      %broadcast_in_dim3A_221 = vector.shape_cast %reduce_sum3A_220 : vector<8xf32> to vector<8x1xf32>
      %jit3A_222 = arith.constant 0.000000e+00 : f32
      %broadcast_in_dim3A_223 = vector.broadcast %jit3A_222 : f32 to vector<8x4096xf32>
      %select_n3A_224 = arith.select %eq3A_218, %get3A_8, %broadcast_in_dim3A_223 : vector<8x4096xi1>, vector<8x4096xf32>
      %reduce_sum3A_225 = arith.constant dense<0.000000e+00> : vector<8xf32>
      %reduce_sum3A_226 = vector.multi_reduction <add>, %select_n3A_224, %reduce_sum3A_225 [1] : vector<8x4096xf32> to vector<8xf32>
      %broadcast_in_dim3A_227 = vector.shape_cast %reduce_sum3A_226 : vector<8xf32> to vector<8x1xf32>
      %jit3A_228 = arith.constant 0.000000e+00 : f32
      %broadcast_in_dim3A_229 = vector.broadcast %jit3A_228 : f32 to vector<8x4096xf32>
      %select_n3A_230 = arith.select %eq3A_218, %get3A_13, %broadcast_in_dim3A_229 : vector<8x4096xi1>, vector<8x4096xf32>
      %reduce_sum3A_231 = arith.constant dense<0.000000e+00> : vector<8xf32>
      %reduce_sum3A_232 = vector.multi_reduction <add>, %select_n3A_230, %reduce_sum3A_231 [1] : vector<8x4096xf32> to vector<8xf32>
      %broadcast_in_dim3A_233 = vector.shape_cast %reduce_sum3A_232 : vector<8xf32> to vector<8x1xf32>
      %eq3A_234 = vector.broadcast %scan3A_213 : i32 to vector<8x128xi32>
      %eq3A_235 = arith.cmpi eq, %iota3A_14, %eq3A_234 : vector<8x128xi32>
      %broadcast_in_dim3A_236 = vector.shape_cast %broadcast_in_dim3A_221 : vector<8x1xf32> to vector<8x1xf32>
      %broadcast_in_dim3A_237 = vector.broadcast %broadcast_in_dim3A_236 : vector<8x1xf32> to vector<8x128xf32>
      %select_n3A_238 = arith.select %eq3A_235, %broadcast_in_dim3A_237, %scan3A_215 : vector<8x128xi1>, vector<8x128xf32>
      %broadcast_in_dim3A_239 = vector.shape_cast %broadcast_in_dim3A_227 : vector<8x1xf32> to vector<8x1xf32>
      %broadcast_in_dim3A_240 = vector.broadcast %broadcast_in_dim3A_239 : vector<8x1xf32> to vector<8x128xf32>
      %select_n3A_241 = arith.select %eq3A_235, %broadcast_in_dim3A_240, %scan3A_216 : vector<8x128xi1>, vector<8x128xf32>
      %broadcast_in_dim3A_242 = vector.shape_cast %broadcast_in_dim3A_233 : vector<8x1xf32> to vector<8x1xf32>
      %broadcast_in_dim3A_243 = vector.broadcast %broadcast_in_dim3A_242 : vector<8x1xf32> to vector<8x128xf32>
      %select_n3A_244 = arith.select %eq3A_235, %broadcast_in_dim3A_243, %scan3A_217 : vector<8x128xi1>, vector<8x128xf32>
      %sub3A = vector.broadcast %broadcast_in_dim3A_221 : vector<8x1xf32> to vector<8x4096xf32>
      %sub3A_245 = arith.subf %get3A_3, %sub3A : vector<8x4096xf32>
      %sub3A_246 = vector.broadcast %broadcast_in_dim3A_227 : vector<8x1xf32> to vector<8x4096xf32>
      %sub3A_247 = arith.subf %get3A_8, %sub3A_246 : vector<8x4096xf32>
      %sub3A_248 = vector.broadcast %broadcast_in_dim3A_233 : vector<8x1xf32> to vector<8x4096xf32>
      %sub3A_249 = arith.subf %get3A_13, %sub3A_248 : vector<8x4096xf32>
      %mul3A = arith.mulf %sub3A_245, %sub3A_245 : vector<8x4096xf32>
      %mul3A_250 = arith.mulf %sub3A_247, %sub3A_247 : vector<8x4096xf32>
      %add3A = arith.addf %mul3A, %mul3A_250 : vector<8x4096xf32>
      %mul3A_251 = arith.mulf %sub3A_249, %sub3A_249 : vector<8x4096xf32>
      %add3A_252 = arith.addf %add3A, %mul3A_251 : vector<8x4096xf32>
      %get3A_253 = arith.constant 0 : index
      %get3A_254 = arith.constant 0 : index
      %get3A_255 = vector.load %arg2[%get3A_253, %get3A_254] : memref<8x4096xf32, #tpu.memory_space<vmem>>, vector<8x4096xf32>
      %min3A = arith.minimumf %get3A_255, %add3A_252 : vector<8x4096xf32>
      %swap3A_256 = arith.constant 0 : index
      %swap3A_257 = arith.constant 0 : index
      %swap3A_258 = vector.load %arg2[%swap3A_256, %swap3A_257] : memref<8x4096xf32, #tpu.memory_space<vmem>>, vector<8x4096xf32>
      tpu.vector_store %arg2[%swap3A_256, %swap3A_257], %min3A {strides = array<i32>} : memref<8x4096xf32, #tpu.memory_space<vmem>>, vector<8x4096xf32>,
      %reduce_max3A = arith.constant dense<0xFF800000> : vector<8xf32>
      %reduce_max3A_259 = vector.multi_reduction <maximumf>, %min3A, %reduce_max3A [1] : vector<8x4096xf32> to vector<8xf32>
      %broadcast_in_dim3A_260 = vector.shape_cast %reduce_max3A_259 : vector<8xf32> to vector<8x1xf32>
      %eq3A_261 = vector.broadcast %broadcast_in_dim3A_260 : vector<8x1xf32> to vector<8x4096xf32>
      %eq3A_262 = arith.cmpf oeq, %min3A, %eq3A_261 : vector<8x4096xf32>
      %jit3A_263 = arith.constant 1073741824 : i32
      %broadcast_in_dim3A_264 = vector.broadcast %jit3A_263 : i32 to vector<8x4096xi32>
      %select_n3A_265 = arith.select %eq3A_262, %iota3A, %broadcast_in_dim3A_264 : vector<8x4096xi1>, vector<8x4096xi32>
      %reduce_min3A = arith.constant dense<2147483647> : vector<8xi32>
      %reduce_min3A_266 = vector.multi_reduction <minsi>, %select_n3A_265, %reduce_min3A [1] : vector<8x4096xi32> to vector<8xi32>
      %broadcast_in_dim3A_267 = vector.shape_cast %reduce_min3A_266 : vector<8xi32> to vector<8x1xi32>
      scf.yield %broadcast_in_dim3A_267, %select_n3A_238, %select_n3A_241, %select_n3A_244 : vector<8x1xi32>, vector<8x128xf32>, vector<8x128xf32>, vector<8x128xf32>
    }
    %scan3A_26 = arith.constant 128 : i32
    %swap3A_27 = arith.constant 0 : index
    %swap3A_28 = arith.constant 0 : index
    %swap3A_29 = arith.constant 0 : index
    %swap3A_30 = vector.load %arg1[%swap3A_27, %swap3A_28, %swap3A_29] : memref<3x8x1024xf32, #tpu.memory_space<vmem>>, vector<1x8x128xf32>
    %swap3A_31 = vector.shape_cast %swap3A_30 : vector<1x8x128xf32> to vector<8x128xf32>
    %swap3A_32 = vector.shape_cast %scan3A_25#1 : vector<8x128xf32> to vector<1x8x128xf32>
    tpu.vector_store %arg1[%swap3A_27, %swap3A_28, %swap3A_29], %swap3A_32 {strides = array<i32>} : memref<3x8x1024xf32, #tpu.memory_space<vmem>>, vector<1x8x128xf32>,
    %swap3A_33 = arith.constant 1 : index
    %swap3A_34 = arith.constant 0 : index
    %swap3A_35 = arith.constant 0 : index
    %swap3A_36 = vector.load %arg1[%swap3A_33, %swap3A_34, %swap3A_35] : memref<3x8x1024xf32, #tpu.memory_space<vmem>>, vector<1x8x128xf32>
    %swap3A_37 = vector.shape_cast %swap3A_36 : vector<1x8x128xf32> to vector<8x128xf32>
    %swap3A_38 = vector.shape_cast %scan3A_25#2 : vector<8x128xf32> to vector<1x8x128xf32>
    tpu.vector_store %arg1[%swap3A_33, %swap3A_34, %swap3A_35], %swap3A_38 {strides = array<i32>} : memref<3x8x1024xf32, #tpu.memory_space<vmem>>, vector<1x8x128xf32>,
    %swap3A_39 = arith.constant 2 : index
    %swap3A_40 = arith.constant 0 : index
    %swap3A_41 = arith.constant 0 : index
    %swap3A_42 = vector.load %arg1[%swap3A_39, %swap3A_40, %swap3A_41] : memref<3x8x1024xf32, #tpu.memory_space<vmem>>, vector<1x8x128xf32>
    %swap3A_43 = vector.shape_cast %swap3A_42 : vector<1x8x128xf32> to vector<8x128xf32>
    %swap3A_44 = vector.shape_cast %scan3A_25#3 : vector<8x128xf32> to vector<1x8x128xf32>
    tpu.vector_store %arg1[%swap3A_39, %swap3A_40, %swap3A_41], %swap3A_44 {strides = array<i32>} : memref<3x8x1024xf32, #tpu.memory_space<vmem>>, vector<1x8x128xf32>,
    %scan3A_45 = arith.constant 0 : i32
    %scan3A_46 = arith.constant 128 : i32
    %scan3A_47 = arith.addi %scan3A_45, %scan3A_46 : i32
    %scan3A_48 = arith.constant 1 : i32
    %scan3A_49:4 = scf.for %scan3A_213 = %scan3A_45 to %scan3A_47 step %scan3A_48 iter_args(%scan3A_214 = %scan3A_25#0, %scan3A_215 = %broadcast_in_dim3A_21, %scan3A_216 = %broadcast_in_dim3A_21, %scan3A_217 = %broadcast_in_dim3A_21) -> (vector<8x1xi32>, vector<8x128xf32>, vector<8x128xf32>, vector<8x128xf32>)  : i32 {
      %eq3A = vector.broadcast %scan3A_214 : vector<8x1xi32> to vector<8x4096xi32>
      %eq3A_218 = arith.cmpi eq, %iota3A, %eq3A : vector<8x4096xi32>
      %jit3A = arith.constant 0.000000e+00 : f32
      %broadcast_in_dim3A_219 = vector.broadcast %jit3A : f32 to vector<8x4096xf32>
      %select_n3A = arith.select %eq3A_218, %get3A_3, %broadcast_in_dim3A_219 : vector<8x4096xi1>, vector<8x4096xf32>
      %reduce_sum3A = arith.constant dense<0.000000e+00> : vector<8xf32>
      %reduce_sum3A_220 = vector.multi_reduction <add>, %select_n3A, %reduce_sum3A [1] : vector<8x4096xf32> to vector<8xf32>
      %broadcast_in_dim3A_221 = vector.shape_cast %reduce_sum3A_220 : vector<8xf32> to vector<8x1xf32>
      %jit3A_222 = arith.constant 0.000000e+00 : f32
      %broadcast_in_dim3A_223 = vector.broadcast %jit3A_222 : f32 to vector<8x4096xf32>
      %select_n3A_224 = arith.select %eq3A_218, %get3A_8, %broadcast_in_dim3A_223 : vector<8x4096xi1>, vector<8x4096xf32>
      %reduce_sum3A_225 = arith.constant dense<0.000000e+00> : vector<8xf32>
      %reduce_sum3A_226 = vector.multi_reduction <add>, %select_n3A_224, %reduce_sum3A_225 [1] : vector<8x4096xf32> to vector<8xf32>
      %broadcast_in_dim3A_227 = vector.shape_cast %reduce_sum3A_226 : vector<8xf32> to vector<8x1xf32>
      %jit3A_228 = arith.constant 0.000000e+00 : f32
      %broadcast_in_dim3A_229 = vector.broadcast %jit3A_228 : f32 to vector<8x4096xf32>
      %select_n3A_230 = arith.select %eq3A_218, %get3A_13, %broadcast_in_dim3A_229 : vector<8x4096xi1>, vector<8x4096xf32>
      %reduce_sum3A_231 = arith.constant dense<0.000000e+00> : vector<8xf32>
      %reduce_sum3A_232 = vector.multi_reduction <add>, %select_n3A_230, %reduce_sum3A_231 [1] : vector<8x4096xf32> to vector<8xf32>
      %broadcast_in_dim3A_233 = vector.shape_cast %reduce_sum3A_232 : vector<8xf32> to vector<8x1xf32>
      %eq3A_234 = vector.broadcast %scan3A_213 : i32 to vector<8x128xi32>
      %eq3A_235 = arith.cmpi eq, %iota3A_14, %eq3A_234 : vector<8x128xi32>
      %broadcast_in_dim3A_236 = vector.shape_cast %broadcast_in_dim3A_221 : vector<8x1xf32> to vector<8x1xf32>
      %broadcast_in_dim3A_237 = vector.broadcast %broadcast_in_dim3A_236 : vector<8x1xf32> to vector<8x128xf32>
      %select_n3A_238 = arith.select %eq3A_235, %broadcast_in_dim3A_237, %scan3A_215 : vector<8x128xi1>, vector<8x128xf32>
      %broadcast_in_dim3A_239 = vector.shape_cast %broadcast_in_dim3A_227 : vector<8x1xf32> to vector<8x1xf32>
      %broadcast_in_dim3A_240 = vector.broadcast %broadcast_in_dim3A_239 : vector<8x1xf32> to vector<8x128xf32>
      %select_n3A_241 = arith.select %eq3A_235, %broadcast_in_dim3A_240, %scan3A_216 : vector<8x128xi1>, vector<8x128xf32>
      %broadcast_in_dim3A_242 = vector.shape_cast %broadcast_in_dim3A_233 : vector<8x1xf32> to vector<8x1xf32>
      %broadcast_in_dim3A_243 = vector.broadcast %broadcast_in_dim3A_242 : vector<8x1xf32> to vector<8x128xf32>
      %select_n3A_244 = arith.select %eq3A_235, %broadcast_in_dim3A_243, %scan3A_217 : vector<8x128xi1>, vector<8x128xf32>
      %sub3A = vector.broadcast %broadcast_in_dim3A_221 : vector<8x1xf32> to vector<8x4096xf32>
      %sub3A_245 = arith.subf %get3A_3, %sub3A : vector<8x4096xf32>
      %sub3A_246 = vector.broadcast %broadcast_in_dim3A_227 : vector<8x1xf32> to vector<8x4096xf32>
      %sub3A_247 = arith.subf %get3A_8, %sub3A_246 : vector<8x4096xf32>
      %sub3A_248 = vector.broadcast %broadcast_in_dim3A_233 : vector<8x1xf32> to vector<8x4096xf32>
      %sub3A_249 = arith.subf %get3A_13, %sub3A_248 : vector<8x4096xf32>
      %mul3A = arith.mulf %sub3A_245, %sub3A_245 : vector<8x4096xf32>
      %mul3A_250 = arith.mulf %sub3A_247, %sub3A_247 : vector<8x4096xf32>
      %add3A = arith.addf %mul3A, %mul3A_250 : vector<8x4096xf32>
      %mul3A_251 = arith.mulf %sub3A_249, %sub3A_249 : vector<8x4096xf32>
      %add3A_252 = arith.addf %add3A, %mul3A_251 : vector<8x4096xf32>
      %get3A_253 = arith.constant 0 : index
      %get3A_254 = arith.constant 0 : index
      %get3A_255 = vector.load %arg2[%get3A_253, %get3A_254] : memref<8x4096xf32, #tpu.memory_space<vmem>>, vector<8x4096xf32>
      %min3A = arith.minimumf %get3A_255, %add3A_252 : vector<8x4096xf32>
      %swap3A_256 = arith.constant 0 : index
      %swap3A_257 = arith.constant 0 : index
      %swap3A_258 = vector.load %arg2[%swap3A_256, %swap3A_257] : memref<8x4096xf32, #tpu.memory_space<vmem>>, vector<8x4096xf32>
      tpu.vector_store %arg2[%swap3A_256, %swap3A_257], %min3A {strides = array<i32>} : memref<8x4096xf32, #tpu.memory_space<vmem>>, vector<8x4096xf32>,
      %reduce_max3A = arith.constant dense<0xFF800000> : vector<8xf32>
      %reduce_max3A_259 = vector.multi_reduction <maximumf>, %min3A, %reduce_max3A [1] : vector<8x4096xf32> to vector<8xf32>
      %broadcast_in_dim3A_260 = vector.shape_cast %reduce_max3A_259 : vector<8xf32> to vector<8x1xf32>
      %eq3A_261 = vector.broadcast %broadcast_in_dim3A_260 : vector<8x1xf32> to vector<8x4096xf32>
      %eq3A_262 = arith.cmpf oeq, %min3A, %eq3A_261 : vector<8x4096xf32>
      %jit3A_263 = arith.constant 1073741824 : i32
      %broadcast_in_dim3A_264 = vector.broadcast %jit3A_263 : i32 to vector<8x4096xi32>
      %select_n3A_265 = arith.select %eq3A_262, %iota3A, %broadcast_in_dim3A_264 : vector<8x4096xi1>, vector<8x4096xi32>
      %reduce_min3A = arith.constant dense<2147483647> : vector<8xi32>
      %reduce_min3A_266 = vector.multi_reduction <minsi>, %select_n3A_265, %reduce_min3A [1] : vector<8x4096xi32> to vector<8xi32>
      %broadcast_in_dim3A_267 = vector.shape_cast %reduce_min3A_266 : vector<8xi32> to vector<8x1xi32>
      scf.yield %broadcast_in_dim3A_267, %select_n3A_238, %select_n3A_241, %select_n3A_244 : vector<8x1xi32>, vector<8x128xf32>, vector<8x128xf32>, vector<8x128xf32>
    }
    %scan3A_50 = arith.constant 128 : i32
    %swap3A_51 = arith.constant 0 : index
    %swap3A_52 = arith.constant 0 : index
    %swap3A_53 = arith.constant 128 : index
    %swap3A_54 = vector.load %arg1[%swap3A_51, %swap3A_52, %swap3A_53] : memref<3x8x1024xf32, #tpu.memory_space<vmem>>, vector<1x8x128xf32>
    %swap3A_55 = vector.shape_cast %swap3A_54 : vector<1x8x128xf32> to vector<8x128xf32>
    %swap3A_56 = vector.shape_cast %scan3A_49#1 : vector<8x128xf32> to vector<1x8x128xf32>
    tpu.vector_store %arg1[%swap3A_51, %swap3A_52, %swap3A_53], %swap3A_56 {strides = array<i32>} : memref<3x8x1024xf32, #tpu.memory_space<vmem>>, vector<1x8x128xf32>,
    %swap3A_57 = arith.constant 1 : index
    %swap3A_58 = arith.constant 0 : index
    %swap3A_59 = arith.constant 128 : index
    %swap3A_60 = vector.load %arg1[%swap3A_57, %swap3A_58, %swap3A_59] : memref<3x8x1024xf32, #tpu.memory_space<vmem>>, vector<1x8x128xf32>
    %swap3A_61 = vector.shape_cast %swap3A_60 : vector<1x8x128xf32> to vector<8x128xf32>
    %swap3A_62 = vector.shape_cast %scan3A_49#2 : vector<8x128xf32> to vector<1x8x128xf32>
    tpu.vector_store %arg1[%swap3A_57, %swap3A_58, %swap3A_59], %swap3A_62 {strides = array<i32>} : memref<3x8x1024xf32, #tpu.memory_space<vmem>>, vector<1x8x128xf32>,
    %swap3A_63 = arith.constant 2 : index
    %swap3A_64 = arith.constant 0 : index
    %swap3A_65 = arith.constant 128 : index
    %swap3A_66 = vector.load %arg1[%swap3A_63, %swap3A_64, %swap3A_65] : memref<3x8x1024xf32, #tpu.memory_space<vmem>>, vector<1x8x128xf32>
    %swap3A_67 = vector.shape_cast %swap3A_66 : vector<1x8x128xf32> to vector<8x128xf32>
    %swap3A_68 = vector.shape_cast %scan3A_49#3 : vector<8x128xf32> to vector<1x8x128xf32>
    tpu.vector_store %arg1[%swap3A_63, %swap3A_64, %swap3A_65], %swap3A_68 {strides = array<i32>} : memref<3x8x1024xf32, #tpu.memory_space<vmem>>, vector<1x8x128xf32>,
    %scan3A_69 = arith.constant 0 : i32
    %scan3A_70 = arith.constant 128 : i32
    %scan3A_71 = arith.addi %scan3A_69, %scan3A_70 : i32
    %scan3A_72 = arith.constant 1 : i32
    %scan3A_73:4 = scf.for %scan3A_213 = %scan3A_69 to %scan3A_71 step %scan3A_72 iter_args(%scan3A_214 = %scan3A_49#0, %scan3A_215 = %broadcast_in_dim3A_21, %scan3A_216 = %broadcast_in_dim3A_21, %scan3A_217 = %broadcast_in_dim3A_21) -> (vector<8x1xi32>, vector<8x128xf32>, vector<8x128xf32>, vector<8x128xf32>)  : i32 {
      %eq3A = vector.broadcast %scan3A_214 : vector<8x1xi32> to vector<8x4096xi32>
      %eq3A_218 = arith.cmpi eq, %iota3A, %eq3A : vector<8x4096xi32>
      %jit3A = arith.constant 0.000000e+00 : f32
      %broadcast_in_dim3A_219 = vector.broadcast %jit3A : f32 to vector<8x4096xf32>
      %select_n3A = arith.select %eq3A_218, %get3A_3, %broadcast_in_dim3A_219 : vector<8x4096xi1>, vector<8x4096xf32>
      %reduce_sum3A = arith.constant dense<0.000000e+00> : vector<8xf32>
      %reduce_sum3A_220 = vector.multi_reduction <add>, %select_n3A, %reduce_sum3A [1] : vector<8x4096xf32> to vector<8xf32>
      %broadcast_in_dim3A_221 = vector.shape_cast %reduce_sum3A_220 : vector<8xf32> to vector<8x1xf32>
      %jit3A_222 = arith.constant 0.000000e+00 : f32
      %broadcast_in_dim3A_223 = vector.broadcast %jit3A_222 : f32 to vector<8x4096xf32>
      %select_n3A_224 = arith.select %eq3A_218, %get3A_8, %broadcast_in_dim3A_223 : vector<8x4096xi1>, vector<8x4096xf32>
      %reduce_sum3A_225 = arith.constant dense<0.000000e+00> : vector<8xf32>
      %reduce_sum3A_226 = vector.multi_reduction <add>, %select_n3A_224, %reduce_sum3A_225 [1] : vector<8x4096xf32> to vector<8xf32>
      %broadcast_in_dim3A_227 = vector.shape_cast %reduce_sum3A_226 : vector<8xf32> to vector<8x1xf32>
      %jit3A_228 = arith.constant 0.000000e+00 : f32
      %broadcast_in_dim3A_229 = vector.broadcast %jit3A_228 : f32 to vector<8x4096xf32>
      %select_n3A_230 = arith.select %eq3A_218, %get3A_13, %broadcast_in_dim3A_229 : vector<8x4096xi1>, vector<8x4096xf32>
      %reduce_sum3A_231 = arith.constant dense<0.000000e+00> : vector<8xf32>
      %reduce_sum3A_232 = vector.multi_reduction <add>, %select_n3A_230, %reduce_sum3A_231 [1] : vector<8x4096xf32> to vector<8xf32>
      %broadcast_in_dim3A_233 = vector.shape_cast %reduce_sum3A_232 : vector<8xf32> to vector<8x1xf32>
      %eq3A_234 = vector.broadcast %scan3A_213 : i32 to vector<8x128xi32>
      %eq3A_235 = arith.cmpi eq, %iota3A_14, %eq3A_234 : vector<8x128xi32>
      %broadcast_in_dim3A_236 = vector.shape_cast %broadcast_in_dim3A_221 : vector<8x1xf32> to vector<8x1xf32>
      %broadcast_in_dim3A_237 = vector.broadcast %broadcast_in_dim3A_236 : vector<8x1xf32> to vector<8x128xf32>
      %select_n3A_238 = arith.select %eq3A_235, %broadcast_in_dim3A_237, %scan3A_215 : vector<8x128xi1>, vector<8x128xf32>
      %broadcast_in_dim3A_239 = vector.shape_cast %broadcast_in_dim3A_227 : vector<8x1xf32> to vector<8x1xf32>
      %broadcast_in_dim3A_240 = vector.broadcast %broadcast_in_dim3A_239 : vector<8x1xf32> to vector<8x128xf32>
      %select_n3A_241 = arith.select %eq3A_235, %broadcast_in_dim3A_240, %scan3A_216 : vector<8x128xi1>, vector<8x128xf32>
      %broadcast_in_dim3A_242 = vector.shape_cast %broadcast_in_dim3A_233 : vector<8x1xf32> to vector<8x1xf32>
      %broadcast_in_dim3A_243 = vector.broadcast %broadcast_in_dim3A_242 : vector<8x1xf32> to vector<8x128xf32>
      %select_n3A_244 = arith.select %eq3A_235, %broadcast_in_dim3A_243, %scan3A_217 : vector<8x128xi1>, vector<8x128xf32>
      %sub3A = vector.broadcast %broadcast_in_dim3A_221 : vector<8x1xf32> to vector<8x4096xf32>
      %sub3A_245 = arith.subf %get3A_3, %sub3A : vector<8x4096xf32>
      %sub3A_246 = vector.broadcast %broadcast_in_dim3A_227 : vector<8x1xf32> to vector<8x4096xf32>
      %sub3A_247 = arith.subf %get3A_8, %sub3A_246 : vector<8x4096xf32>
      %sub3A_248 = vector.broadcast %broadcast_in_dim3A_233 : vector<8x1xf32> to vector<8x4096xf32>
      %sub3A_249 = arith.subf %get3A_13, %sub3A_248 : vector<8x4096xf32>
      %mul3A = arith.mulf %sub3A_245, %sub3A_245 : vector<8x4096xf32>
      %mul3A_250 = arith.mulf %sub3A_247, %sub3A_247 : vector<8x4096xf32>
      %add3A = arith.addf %mul3A, %mul3A_250 : vector<8x4096xf32>
      %mul3A_251 = arith.mulf %sub3A_249, %sub3A_249 : vector<8x4096xf32>
      %add3A_252 = arith.addf %add3A, %mul3A_251 : vector<8x4096xf32>
      %get3A_253 = arith.constant 0 : index
      %get3A_254 = arith.constant 0 : index
      %get3A_255 = vector.load %arg2[%get3A_253, %get3A_254] : memref<8x4096xf32, #tpu.memory_space<vmem>>, vector<8x4096xf32>
      %min3A = arith.minimumf %get3A_255, %add3A_252 : vector<8x4096xf32>
      %swap3A_256 = arith.constant 0 : index
      %swap3A_257 = arith.constant 0 : index
      %swap3A_258 = vector.load %arg2[%swap3A_256, %swap3A_257] : memref<8x4096xf32, #tpu.memory_space<vmem>>, vector<8x4096xf32>
      tpu.vector_store %arg2[%swap3A_256, %swap3A_257], %min3A {strides = array<i32>} : memref<8x4096xf32, #tpu.memory_space<vmem>>, vector<8x4096xf32>,
      %reduce_max3A = arith.constant dense<0xFF800000> : vector<8xf32>
      %reduce_max3A_259 = vector.multi_reduction <maximumf>, %min3A, %reduce_max3A [1] : vector<8x4096xf32> to vector<8xf32>
      %broadcast_in_dim3A_260 = vector.shape_cast %reduce_max3A_259 : vector<8xf32> to vector<8x1xf32>
      %eq3A_261 = vector.broadcast %broadcast_in_dim3A_260 : vector<8x1xf32> to vector<8x4096xf32>
      %eq3A_262 = arith.cmpf oeq, %min3A, %eq3A_261 : vector<8x4096xf32>
      %jit3A_263 = arith.constant 1073741824 : i32
      %broadcast_in_dim3A_264 = vector.broadcast %jit3A_263 : i32 to vector<8x4096xi32>
      %select_n3A_265 = arith.select %eq3A_262, %iota3A, %broadcast_in_dim3A_264 : vector<8x4096xi1>, vector<8x4096xi32>
      %reduce_min3A = arith.constant dense<2147483647> : vector<8xi32>
      %reduce_min3A_266 = vector.multi_reduction <minsi>, %select_n3A_265, %reduce_min3A [1] : vector<8x4096xi32> to vector<8xi32>
      %broadcast_in_dim3A_267 = vector.shape_cast %reduce_min3A_266 : vector<8xi32> to vector<8x1xi32>
      scf.yield %broadcast_in_dim3A_267, %select_n3A_238, %select_n3A_241, %select_n3A_244 : vector<8x1xi32>, vector<8x128xf32>, vector<8x128xf32>, vector<8x128xf32>
    }
    %scan3A_74 = arith.constant 128 : i32
    %swap3A_75 = arith.constant 0 : index
    %swap3A_76 = arith.constant 0 : index
    %swap3A_77 = arith.constant 256 : index
    %swap3A_78 = vector.load %arg1[%swap3A_75, %swap3A_76, %swap3A_77] : memref<3x8x1024xf32, #tpu.memory_space<vmem>>, vector<1x8x128xf32>
    %swap3A_79 = vector.shape_cast %swap3A_78 : vector<1x8x128xf32> to vector<8x128xf32>
    %swap3A_80 = vector.shape_cast %scan3A_73#1 : vector<8x128xf32> to vector<1x8x128xf32>
    tpu.vector_store %arg1[%swap3A_75, %swap3A_76, %swap3A_77], %swap3A_80 {strides = array<i32>} : memref<3x8x1024xf32, #tpu.memory_space<vmem>>, vector<1x8x128xf32>,
    %swap3A_81 = arith.constant 1 : index
    %swap3A_82 = arith.constant 0 : index
    %swap3A_83 = arith.constant 256 : index
    %swap3A_84 = vector.load %arg1[%swap3A_81, %swap3A_82, %swap3A_83] : memref<3x8x1024xf32, #tpu.memory_space<vmem>>, vector<1x8x128xf32>
    %swap3A_85 = vector.shape_cast %swap3A_84 : vector<1x8x128xf32> to vector<8x128xf32>
    %swap3A_86 = vector.shape_cast %scan3A_73#2 : vector<8x128xf32> to vector<1x8x128xf32>
    tpu.vector_store %arg1[%swap3A_81, %swap3A_82, %swap3A_83], %swap3A_86 {strides = array<i32>} : memref<3x8x1024xf32, #tpu.memory_space<vmem>>, vector<1x8x128xf32>,
    %swap3A_87 = arith.constant 2 : index
    %swap3A_88 = arith.constant 0 : index
    %swap3A_89 = arith.constant 256 : index
    %swap3A_90 = vector.load %arg1[%swap3A_87, %swap3A_88, %swap3A_89] : memref<3x8x1024xf32, #tpu.memory_space<vmem>>, vector<1x8x128xf32>
    %swap3A_91 = vector.shape_cast %swap3A_90 : vector<1x8x128xf32> to vector<8x128xf32>
    %swap3A_92 = vector.shape_cast %scan3A_73#3 : vector<8x128xf32> to vector<1x8x128xf32>
    tpu.vector_store %arg1[%swap3A_87, %swap3A_88, %swap3A_89], %swap3A_92 {strides = array<i32>} : memref<3x8x1024xf32, #tpu.memory_space<vmem>>, vector<1x8x128xf32>,
    %scan3A_93 = arith.constant 0 : i32
    %scan3A_94 = arith.constant 128 : i32
    %scan3A_95 = arith.addi %scan3A_93, %scan3A_94 : i32
    %scan3A_96 = arith.constant 1 : i32
    %scan3A_97:4 = scf.for %scan3A_213 = %scan3A_93 to %scan3A_95 step %scan3A_96 iter_args(%scan3A_214 = %scan3A_73#0, %scan3A_215 = %broadcast_in_dim3A_21, %scan3A_216 = %broadcast_in_dim3A_21, %scan3A_217 = %broadcast_in_dim3A_21) -> (vector<8x1xi32>, vector<8x128xf32>, vector<8x128xf32>, vector<8x128xf32>)  : i32 {
      %eq3A = vector.broadcast %scan3A_214 : vector<8x1xi32> to vector<8x4096xi32>
      %eq3A_218 = arith.cmpi eq, %iota3A, %eq3A : vector<8x4096xi32>
      %jit3A = arith.constant 0.000000e+00 : f32
      %broadcast_in_dim3A_219 = vector.broadcast %jit3A : f32 to vector<8x4096xf32>
      %select_n3A = arith.select %eq3A_218, %get3A_3, %broadcast_in_dim3A_219 : vector<8x4096xi1>, vector<8x4096xf32>
      %reduce_sum3A = arith.constant dense<0.000000e+00> : vector<8xf32>
      %reduce_sum3A_220 = vector.multi_reduction <add>, %select_n3A, %reduce_sum3A [1] : vector<8x4096xf32> to vector<8xf32>
      %broadcast_in_dim3A_221 = vector.shape_cast %reduce_sum3A_220 : vector<8xf32> to vector<8x1xf32>
      %jit3A_222 = arith.constant 0.000000e+00 : f32
      %broadcast_in_dim3A_223 = vector.broadcast %jit3A_222 : f32 to vector<8x4096xf32>
      %select_n3A_224 = arith.select %eq3A_218, %get3A_8, %broadcast_in_dim3A_223 : vector<8x4096xi1>, vector<8x4096xf32>
      %reduce_sum3A_225 = arith.constant dense<0.000000e+00> : vector<8xf32>
      %reduce_sum3A_226 = vector.multi_reduction <add>, %select_n3A_224, %reduce_sum3A_225 [1] : vector<8x4096xf32> to vector<8xf32>
      %broadcast_in_dim3A_227 = vector.shape_cast %reduce_sum3A_226 : vector<8xf32> to vector<8x1xf32>
      %jit3A_228 = arith.constant 0.000000e+00 : f32
      %broadcast_in_dim3A_229 = vector.broadcast %jit3A_228 : f32 to vector<8x4096xf32>
      %select_n3A_230 = arith.select %eq3A_218, %get3A_13, %broadcast_in_dim3A_229 : vector<8x4096xi1>, vector<8x4096xf32>
      %reduce_sum3A_231 = arith.constant dense<0.000000e+00> : vector<8xf32>
      %reduce_sum3A_232 = vector.multi_reduction <add>, %select_n3A_230, %reduce_sum3A_231 [1] : vector<8x4096xf32> to vector<8xf32>
      %broadcast_in_dim3A_233 = vector.shape_cast %reduce_sum3A_232 : vector<8xf32> to vector<8x1xf32>
      %eq3A_234 = vector.broadcast %scan3A_213 : i32 to vector<8x128xi32>
      %eq3A_235 = arith.cmpi eq, %iota3A_14, %eq3A_234 : vector<8x128xi32>
      %broadcast_in_dim3A_236 = vector.shape_cast %broadcast_in_dim3A_221 : vector<8x1xf32> to vector<8x1xf32>
      %broadcast_in_dim3A_237 = vector.broadcast %broadcast_in_dim3A_236 : vector<8x1xf32> to vector<8x128xf32>
      %select_n3A_238 = arith.select %eq3A_235, %broadcast_in_dim3A_237, %scan3A_215 : vector<8x128xi1>, vector<8x128xf32>
      %broadcast_in_dim3A_239 = vector.shape_cast %broadcast_in_dim3A_227 : vector<8x1xf32> to vector<8x1xf32>
      %broadcast_in_dim3A_240 = vector.broadcast %broadcast_in_dim3A_239 : vector<8x1xf32> to vector<8x128xf32>
      %select_n3A_241 = arith.select %eq3A_235, %broadcast_in_dim3A_240, %scan3A_216 : vector<8x128xi1>, vector<8x128xf32>
      %broadcast_in_dim3A_242 = vector.shape_cast %broadcast_in_dim3A_233 : vector<8x1xf32> to vector<8x1xf32>
      %broadcast_in_dim3A_243 = vector.broadcast %broadcast_in_dim3A_242 : vector<8x1xf32> to vector<8x128xf32>
      %select_n3A_244 = arith.select %eq3A_235, %broadcast_in_dim3A_243, %scan3A_217 : vector<8x128xi1>, vector<8x128xf32>
      %sub3A = vector.broadcast %broadcast_in_dim3A_221 : vector<8x1xf32> to vector<8x4096xf32>
      %sub3A_245 = arith.subf %get3A_3, %sub3A : vector<8x4096xf32>
      %sub3A_246 = vector.broadcast %broadcast_in_dim3A_227 : vector<8x1xf32> to vector<8x4096xf32>
      %sub3A_247 = arith.subf %get3A_8, %sub3A_246 : vector<8x4096xf32>
      %sub3A_248 = vector.broadcast %broadcast_in_dim3A_233 : vector<8x1xf32> to vector<8x4096xf32>
      %sub3A_249 = arith.subf %get3A_13, %sub3A_248 : vector<8x4096xf32>
      %mul3A = arith.mulf %sub3A_245, %sub3A_245 : vector<8x4096xf32>
      %mul3A_250 = arith.mulf %sub3A_247, %sub3A_247 : vector<8x4096xf32>
      %add3A = arith.addf %mul3A, %mul3A_250 : vector<8x4096xf32>
      %mul3A_251 = arith.mulf %sub3A_249, %sub3A_249 : vector<8x4096xf32>
      %add3A_252 = arith.addf %add3A, %mul3A_251 : vector<8x4096xf32>
      %get3A_253 = arith.constant 0 : index
      %get3A_254 = arith.constant 0 : index
      %get3A_255 = vector.load %arg2[%get3A_253, %get3A_254] : memref<8x4096xf32, #tpu.memory_space<vmem>>, vector<8x4096xf32>
      %min3A = arith.minimumf %get3A_255, %add3A_252 : vector<8x4096xf32>
      %swap3A_256 = arith.constant 0 : index
      %swap3A_257 = arith.constant 0 : index
      %swap3A_258 = vector.load %arg2[%swap3A_256, %swap3A_257] : memref<8x4096xf32, #tpu.memory_space<vmem>>, vector<8x4096xf32>
      tpu.vector_store %arg2[%swap3A_256, %swap3A_257], %min3A {strides = array<i32>} : memref<8x4096xf32, #tpu.memory_space<vmem>>, vector<8x4096xf32>,
      %reduce_max3A = arith.constant dense<0xFF800000> : vector<8xf32>
      %reduce_max3A_259 = vector.multi_reduction <maximumf>, %min3A, %reduce_max3A [1] : vector<8x4096xf32> to vector<8xf32>
      %broadcast_in_dim3A_260 = vector.shape_cast %reduce_max3A_259 : vector<8xf32> to vector<8x1xf32>
      %eq3A_261 = vector.broadcast %broadcast_in_dim3A_260 : vector<8x1xf32> to vector<8x4096xf32>
      %eq3A_262 = arith.cmpf oeq, %min3A, %eq3A_261 : vector<8x4096xf32>
      %jit3A_263 = arith.constant 1073741824 : i32
      %broadcast_in_dim3A_264 = vector.broadcast %jit3A_263 : i32 to vector<8x4096xi32>
      %select_n3A_265 = arith.select %eq3A_262, %iota3A, %broadcast_in_dim3A_264 : vector<8x4096xi1>, vector<8x4096xi32>
      %reduce_min3A = arith.constant dense<2147483647> : vector<8xi32>
      %reduce_min3A_266 = vector.multi_reduction <minsi>, %select_n3A_265, %reduce_min3A [1] : vector<8x4096xi32> to vector<8xi32>
      %broadcast_in_dim3A_267 = vector.shape_cast %reduce_min3A_266 : vector<8xi32> to vector<8x1xi32>
      scf.yield %broadcast_in_dim3A_267, %select_n3A_238, %select_n3A_241, %select_n3A_244 : vector<8x1xi32>, vector<8x128xf32>, vector<8x128xf32>, vector<8x128xf32>
    }
    %scan3A_98 = arith.constant 128 : i32
    %swap3A_99 = arith.constant 0 : index
    %swap3A_100 = arith.constant 0 : index
    %swap3A_101 = arith.constant 384 : index
    %swap3A_102 = vector.load %arg1[%swap3A_99, %swap3A_100, %swap3A_101] : memref<3x8x1024xf32, #tpu.memory_space<vmem>>, vector<1x8x128xf32>
    %swap3A_103 = vector.shape_cast %swap3A_102 : vector<1x8x128xf32> to vector<8x128xf32>
    %swap3A_104 = vector.shape_cast %scan3A_97#1 : vector<8x128xf32> to vector<1x8x128xf32>
    tpu.vector_store %arg1[%swap3A_99, %swap3A_100, %swap3A_101], %swap3A_104 {strides = array<i32>} : memref<3x8x1024xf32, #tpu.memory_space<vmem>>, vector<1x8x128xf32>,
    %swap3A_105 = arith.constant 1 : index
    %swap3A_106 = arith.constant 0 : index
    %swap3A_107 = arith.constant 384 : index
    %swap3A_108 = vector.load %arg1[%swap3A_105, %swap3A_106, %swap3A_107] : memref<3x8x1024xf32, #tpu.memory_space<vmem>>, vector<1x8x128xf32>
    %swap3A_109 = vector.shape_cast %swap3A_108 : vector<1x8x128xf32> to vector<8x128xf32>
    %swap3A_110 = vector.shape_cast %scan3A_97#2 : vector<8x128xf32> to vector<1x8x128xf32>
    tpu.vector_store %arg1[%swap3A_105, %swap3A_106, %swap3A_107], %swap3A_110 {strides = array<i32>} : memref<3x8x1024xf32, #tpu.memory_space<vmem>>, vector<1x8x128xf32>,
    %swap3A_111 = arith.constant 2 : index
    %swap3A_112 = arith.constant 0 : index
    %swap3A_113 = arith.constant 384 : index
    %swap3A_114 = vector.load %arg1[%swap3A_111, %swap3A_112, %swap3A_113] : memref<3x8x1024xf32, #tpu.memory_space<vmem>>, vector<1x8x128xf32>
    %swap3A_115 = vector.shape_cast %swap3A_114 : vector<1x8x128xf32> to vector<8x128xf32>
    %swap3A_116 = vector.shape_cast %scan3A_97#3 : vector<8x128xf32> to vector<1x8x128xf32>
    tpu.vector_store %arg1[%swap3A_111, %swap3A_112, %swap3A_113], %swap3A_116 {strides = array<i32>} : memref<3x8x1024xf32, #tpu.memory_space<vmem>>, vector<1x8x128xf32>,
    %scan3A_117 = arith.constant 0 : i32
    %scan3A_118 = arith.constant 128 : i32
    %scan3A_119 = arith.addi %scan3A_117, %scan3A_118 : i32
    %scan3A_120 = arith.constant 1 : i32
    %scan3A_121:4 = scf.for %scan3A_213 = %scan3A_117 to %scan3A_119 step %scan3A_120 iter_args(%scan3A_214 = %scan3A_97#0, %scan3A_215 = %broadcast_in_dim3A_21, %scan3A_216 = %broadcast_in_dim3A_21, %scan3A_217 = %broadcast_in_dim3A_21) -> (vector<8x1xi32>, vector<8x128xf32>, vector<8x128xf32>, vector<8x128xf32>)  : i32 {
      %eq3A = vector.broadcast %scan3A_214 : vector<8x1xi32> to vector<8x4096xi32>
      %eq3A_218 = arith.cmpi eq, %iota3A, %eq3A : vector<8x4096xi32>
      %jit3A = arith.constant 0.000000e+00 : f32
      %broadcast_in_dim3A_219 = vector.broadcast %jit3A : f32 to vector<8x4096xf32>
      %select_n3A = arith.select %eq3A_218, %get3A_3, %broadcast_in_dim3A_219 : vector<8x4096xi1>, vector<8x4096xf32>
      %reduce_sum3A = arith.constant dense<0.000000e+00> : vector<8xf32>
      %reduce_sum3A_220 = vector.multi_reduction <add>, %select_n3A, %reduce_sum3A [1] : vector<8x4096xf32> to vector<8xf32>
      %broadcast_in_dim3A_221 = vector.shape_cast %reduce_sum3A_220 : vector<8xf32> to vector<8x1xf32>
      %jit3A_222 = arith.constant 0.000000e+00 : f32
      %broadcast_in_dim3A_223 = vector.broadcast %jit3A_222 : f32 to vector<8x4096xf32>
      %select_n3A_224 = arith.select %eq3A_218, %get3A_8, %broadcast_in_dim3A_223 : vector<8x4096xi1>, vector<8x4096xf32>
      %reduce_sum3A_225 = arith.constant dense<0.000000e+00> : vector<8xf32>
      %reduce_sum3A_226 = vector.multi_reduction <add>, %select_n3A_224, %reduce_sum3A_225 [1] : vector<8x4096xf32> to vector<8xf32>
      %broadcast_in_dim3A_227 = vector.shape_cast %reduce_sum3A_226 : vector<8xf32> to vector<8x1xf32>
      %jit3A_228 = arith.constant 0.000000e+00 : f32
      %broadcast_in_dim3A_229 = vector.broadcast %jit3A_228 : f32 to vector<8x4096xf32>
      %select_n3A_230 = arith.select %eq3A_218, %get3A_13, %broadcast_in_dim3A_229 : vector<8x4096xi1>, vector<8x4096xf32>
      %reduce_sum3A_231 = arith.constant dense<0.000000e+00> : vector<8xf32>
      %reduce_sum3A_232 = vector.multi_reduction <add>, %select_n3A_230, %reduce_sum3A_231 [1] : vector<8x4096xf32> to vector<8xf32>
      %broadcast_in_dim3A_233 = vector.shape_cast %reduce_sum3A_232 : vector<8xf32> to vector<8x1xf32>
      %eq3A_234 = vector.broadcast %scan3A_213 : i32 to vector<8x128xi32>
      %eq3A_235 = arith.cmpi eq, %iota3A_14, %eq3A_234 : vector<8x128xi32>
      %broadcast_in_dim3A_236 = vector.shape_cast %broadcast_in_dim3A_221 : vector<8x1xf32> to vector<8x1xf32>
      %broadcast_in_dim3A_237 = vector.broadcast %broadcast_in_dim3A_236 : vector<8x1xf32> to vector<8x128xf32>
      %select_n3A_238 = arith.select %eq3A_235, %broadcast_in_dim3A_237, %scan3A_215 : vector<8x128xi1>, vector<8x128xf32>
      %broadcast_in_dim3A_239 = vector.shape_cast %broadcast_in_dim3A_227 : vector<8x1xf32> to vector<8x1xf32>
      %broadcast_in_dim3A_240 = vector.broadcast %broadcast_in_dim3A_239 : vector<8x1xf32> to vector<8x128xf32>
      %select_n3A_241 = arith.select %eq3A_235, %broadcast_in_dim3A_240, %scan3A_216 : vector<8x128xi1>, vector<8x128xf32>
      %broadcast_in_dim3A_242 = vector.shape_cast %broadcast_in_dim3A_233 : vector<8x1xf32> to vector<8x1xf32>
      %broadcast_in_dim3A_243 = vector.broadcast %broadcast_in_dim3A_242 : vector<8x1xf32> to vector<8x128xf32>
      %select_n3A_244 = arith.select %eq3A_235, %broadcast_in_dim3A_243, %scan3A_217 : vector<8x128xi1>, vector<8x128xf32>
      %sub3A = vector.broadcast %broadcast_in_dim3A_221 : vector<8x1xf32> to vector<8x4096xf32>
      %sub3A_245 = arith.subf %get3A_3, %sub3A : vector<8x4096xf32>
      %sub3A_246 = vector.broadcast %broadcast_in_dim3A_227 : vector<8x1xf32> to vector<8x4096xf32>
      %sub3A_247 = arith.subf %get3A_8, %sub3A_246 : vector<8x4096xf32>
      %sub3A_248 = vector.broadcast %broadcast_in_dim3A_233 : vector<8x1xf32> to vector<8x4096xf32>
      %sub3A_249 = arith.subf %get3A_13, %sub3A_248 : vector<8x4096xf32>
      %mul3A = arith.mulf %sub3A_245, %sub3A_245 : vector<8x4096xf32>
      %mul3A_250 = arith.mulf %sub3A_247, %sub3A_247 : vector<8x4096xf32>
      %add3A = arith.addf %mul3A, %mul3A_250 : vector<8x4096xf32>
      %mul3A_251 = arith.mulf %sub3A_249, %sub3A_249 : vector<8x4096xf32>
      %add3A_252 = arith.addf %add3A, %mul3A_251 : vector<8x4096xf32>
      %get3A_253 = arith.constant 0 : index
      %get3A_254 = arith.constant 0 : index
      %get3A_255 = vector.load %arg2[%get3A_253, %get3A_254] : memref<8x4096xf32, #tpu.memory_space<vmem>>, vector<8x4096xf32>
      %min3A = arith.minimumf %get3A_255, %add3A_252 : vector<8x4096xf32>
      %swap3A_256 = arith.constant 0 : index
      %swap3A_257 = arith.constant 0 : index
      %swap3A_258 = vector.load %arg2[%swap3A_256, %swap3A_257] : memref<8x4096xf32, #tpu.memory_space<vmem>>, vector<8x4096xf32>
      tpu.vector_store %arg2[%swap3A_256, %swap3A_257], %min3A {strides = array<i32>} : memref<8x4096xf32, #tpu.memory_space<vmem>>, vector<8x4096xf32>,
      %reduce_max3A = arith.constant dense<0xFF800000> : vector<8xf32>
      %reduce_max3A_259 = vector.multi_reduction <maximumf>, %min3A, %reduce_max3A [1] : vector<8x4096xf32> to vector<8xf32>
      %broadcast_in_dim3A_260 = vector.shape_cast %reduce_max3A_259 : vector<8xf32> to vector<8x1xf32>
      %eq3A_261 = vector.broadcast %broadcast_in_dim3A_260 : vector<8x1xf32> to vector<8x4096xf32>
      %eq3A_262 = arith.cmpf oeq, %min3A, %eq3A_261 : vector<8x4096xf32>
      %jit3A_263 = arith.constant 1073741824 : i32
      %broadcast_in_dim3A_264 = vector.broadcast %jit3A_263 : i32 to vector<8x4096xi32>
      %select_n3A_265 = arith.select %eq3A_262, %iota3A, %broadcast_in_dim3A_264 : vector<8x4096xi1>, vector<8x4096xi32>
      %reduce_min3A = arith.constant dense<2147483647> : vector<8xi32>
      %reduce_min3A_266 = vector.multi_reduction <minsi>, %select_n3A_265, %reduce_min3A [1] : vector<8x4096xi32> to vector<8xi32>
      %broadcast_in_dim3A_267 = vector.shape_cast %reduce_min3A_266 : vector<8xi32> to vector<8x1xi32>
      scf.yield %broadcast_in_dim3A_267, %select_n3A_238, %select_n3A_241, %select_n3A_244 : vector<8x1xi32>, vector<8x128xf32>, vector<8x128xf32>, vector<8x128xf32>
    }
    %scan3A_122 = arith.constant 128 : i32
    %swap3A_123 = arith.constant 0 : index
    %swap3A_124 = arith.constant 0 : index
    %swap3A_125 = arith.constant 512 : index
    %swap3A_126 = vector.load %arg1[%swap3A_123, %swap3A_124, %swap3A_125] : memref<3x8x1024xf32, #tpu.memory_space<vmem>>, vector<1x8x128xf32>
    %swap3A_127 = vector.shape_cast %swap3A_126 : vector<1x8x128xf32> to vector<8x128xf32>
    %swap3A_128 = vector.shape_cast %scan3A_121#1 : vector<8x128xf32> to vector<1x8x128xf32>
    tpu.vector_store %arg1[%swap3A_123, %swap3A_124, %swap3A_125], %swap3A_128 {strides = array<i32>} : memref<3x8x1024xf32, #tpu.memory_space<vmem>>, vector<1x8x128xf32>,
    %swap3A_129 = arith.constant 1 : index
    %swap3A_130 = arith.constant 0 : index
    %swap3A_131 = arith.constant 512 : index
    %swap3A_132 = vector.load %arg1[%swap3A_129, %swap3A_130, %swap3A_131] : memref<3x8x1024xf32, #tpu.memory_space<vmem>>, vector<1x8x128xf32>
    %swap3A_133 = vector.shape_cast %swap3A_132 : vector<1x8x128xf32> to vector<8x128xf32>
    %swap3A_134 = vector.shape_cast %scan3A_121#2 : vector<8x128xf32> to vector<1x8x128xf32>
    tpu.vector_store %arg1[%swap3A_129, %swap3A_130, %swap3A_131], %swap3A_134 {strides = array<i32>} : memref<3x8x1024xf32, #tpu.memory_space<vmem>>, vector<1x8x128xf32>,
    %swap3A_135 = arith.constant 2 : index
    %swap3A_136 = arith.constant 0 : index
    %swap3A_137 = arith.constant 512 : index
    %swap3A_138 = vector.load %arg1[%swap3A_135, %swap3A_136, %swap3A_137] : memref<3x8x1024xf32, #tpu.memory_space<vmem>>, vector<1x8x128xf32>
    %swap3A_139 = vector.shape_cast %swap3A_138 : vector<1x8x128xf32> to vector<8x128xf32>
    %swap3A_140 = vector.shape_cast %scan3A_121#3 : vector<8x128xf32> to vector<1x8x128xf32>
    tpu.vector_store %arg1[%swap3A_135, %swap3A_136, %swap3A_137], %swap3A_140 {strides = array<i32>} : memref<3x8x1024xf32, #tpu.memory_space<vmem>>, vector<1x8x128xf32>,
    %scan3A_141 = arith.constant 0 : i32
    %scan3A_142 = arith.constant 128 : i32
    %scan3A_143 = arith.addi %scan3A_141, %scan3A_142 : i32
    %scan3A_144 = arith.constant 1 : i32
    %scan3A_145:4 = scf.for %scan3A_213 = %scan3A_141 to %scan3A_143 step %scan3A_144 iter_args(%scan3A_214 = %scan3A_121#0, %scan3A_215 = %broadcast_in_dim3A_21, %scan3A_216 = %broadcast_in_dim3A_21, %scan3A_217 = %broadcast_in_dim3A_21) -> (vector<8x1xi32>, vector<8x128xf32>, vector<8x128xf32>, vector<8x128xf32>)  : i32 {
      %eq3A = vector.broadcast %scan3A_214 : vector<8x1xi32> to vector<8x4096xi32>
      %eq3A_218 = arith.cmpi eq, %iota3A, %eq3A : vector<8x4096xi32>
      %jit3A = arith.constant 0.000000e+00 : f32
      %broadcast_in_dim3A_219 = vector.broadcast %jit3A : f32 to vector<8x4096xf32>
      %select_n3A = arith.select %eq3A_218, %get3A_3, %broadcast_in_dim3A_219 : vector<8x4096xi1>, vector<8x4096xf32>
      %reduce_sum3A = arith.constant dense<0.000000e+00> : vector<8xf32>
      %reduce_sum3A_220 = vector.multi_reduction <add>, %select_n3A, %reduce_sum3A [1] : vector<8x4096xf32> to vector<8xf32>
      %broadcast_in_dim3A_221 = vector.shape_cast %reduce_sum3A_220 : vector<8xf32> to vector<8x1xf32>
      %jit3A_222 = arith.constant 0.000000e+00 : f32
      %broadcast_in_dim3A_223 = vector.broadcast %jit3A_222 : f32 to vector<8x4096xf32>
      %select_n3A_224 = arith.select %eq3A_218, %get3A_8, %broadcast_in_dim3A_223 : vector<8x4096xi1>, vector<8x4096xf32>
      %reduce_sum3A_225 = arith.constant dense<0.000000e+00> : vector<8xf32>
      %reduce_sum3A_226 = vector.multi_reduction <add>, %select_n3A_224, %reduce_sum3A_225 [1] : vector<8x4096xf32> to vector<8xf32>
      %broadcast_in_dim3A_227 = vector.shape_cast %reduce_sum3A_226 : vector<8xf32> to vector<8x1xf32>
      %jit3A_228 = arith.constant 0.000000e+00 : f32
      %broadcast_in_dim3A_229 = vector.broadcast %jit3A_228 : f32 to vector<8x4096xf32>
      %select_n3A_230 = arith.select %eq3A_218, %get3A_13, %broadcast_in_dim3A_229 : vector<8x4096xi1>, vector<8x4096xf32>
      %reduce_sum3A_231 = arith.constant dense<0.000000e+00> : vector<8xf32>
      %reduce_sum3A_232 = vector.multi_reduction <add>, %select_n3A_230, %reduce_sum3A_231 [1] : vector<8x4096xf32> to vector<8xf32>
      %broadcast_in_dim3A_233 = vector.shape_cast %reduce_sum3A_232 : vector<8xf32> to vector<8x1xf32>
      %eq3A_234 = vector.broadcast %scan3A_213 : i32 to vector<8x128xi32>
      %eq3A_235 = arith.cmpi eq, %iota3A_14, %eq3A_234 : vector<8x128xi32>
      %broadcast_in_dim3A_236 = vector.shape_cast %broadcast_in_dim3A_221 : vector<8x1xf32> to vector<8x1xf32>
      %broadcast_in_dim3A_237 = vector.broadcast %broadcast_in_dim3A_236 : vector<8x1xf32> to vector<8x128xf32>
      %select_n3A_238 = arith.select %eq3A_235, %broadcast_in_dim3A_237, %scan3A_215 : vector<8x128xi1>, vector<8x128xf32>
      %broadcast_in_dim3A_239 = vector.shape_cast %broadcast_in_dim3A_227 : vector<8x1xf32> to vector<8x1xf32>
      %broadcast_in_dim3A_240 = vector.broadcast %broadcast_in_dim3A_239 : vector<8x1xf32> to vector<8x128xf32>
      %select_n3A_241 = arith.select %eq3A_235, %broadcast_in_dim3A_240, %scan3A_216 : vector<8x128xi1>, vector<8x128xf32>
      %broadcast_in_dim3A_242 = vector.shape_cast %broadcast_in_dim3A_233 : vector<8x1xf32> to vector<8x1xf32>
      %broadcast_in_dim3A_243 = vector.broadcast %broadcast_in_dim3A_242 : vector<8x1xf32> to vector<8x128xf32>
      %select_n3A_244 = arith.select %eq3A_235, %broadcast_in_dim3A_243, %scan3A_217 : vector<8x128xi1>, vector<8x128xf32>
      %sub3A = vector.broadcast %broadcast_in_dim3A_221 : vector<8x1xf32> to vector<8x4096xf32>
      %sub3A_245 = arith.subf %get3A_3, %sub3A : vector<8x4096xf32>
      %sub3A_246 = vector.broadcast %broadcast_in_dim3A_227 : vector<8x1xf32> to vector<8x4096xf32>
      %sub3A_247 = arith.subf %get3A_8, %sub3A_246 : vector<8x4096xf32>
      %sub3A_248 = vector.broadcast %broadcast_in_dim3A_233 : vector<8x1xf32> to vector<8x4096xf32>
      %sub3A_249 = arith.subf %get3A_13, %sub3A_248 : vector<8x4096xf32>
      %mul3A = arith.mulf %sub3A_245, %sub3A_245 : vector<8x4096xf32>
      %mul3A_250 = arith.mulf %sub3A_247, %sub3A_247 : vector<8x4096xf32>
      %add3A = arith.addf %mul3A, %mul3A_250 : vector<8x4096xf32>
      %mul3A_251 = arith.mulf %sub3A_249, %sub3A_249 : vector<8x4096xf32>
      %add3A_252 = arith.addf %add3A, %mul3A_251 : vector<8x4096xf32>
      %get3A_253 = arith.constant 0 : index
      %get3A_254 = arith.constant 0 : index
      %get3A_255 = vector.load %arg2[%get3A_253, %get3A_254] : memref<8x4096xf32, #tpu.memory_space<vmem>>, vector<8x4096xf32>
      %min3A = arith.minimumf %get3A_255, %add3A_252 : vector<8x4096xf32>
      %swap3A_256 = arith.constant 0 : index
      %swap3A_257 = arith.constant 0 : index
      %swap3A_258 = vector.load %arg2[%swap3A_256, %swap3A_257] : memref<8x4096xf32, #tpu.memory_space<vmem>>, vector<8x4096xf32>
      tpu.vector_store %arg2[%swap3A_256, %swap3A_257], %min3A {strides = array<i32>} : memref<8x4096xf32, #tpu.memory_space<vmem>>, vector<8x4096xf32>,
      %reduce_max3A = arith.constant dense<0xFF800000> : vector<8xf32>
      %reduce_max3A_259 = vector.multi_reduction <maximumf>, %min3A, %reduce_max3A [1] : vector<8x4096xf32> to vector<8xf32>
      %broadcast_in_dim3A_260 = vector.shape_cast %reduce_max3A_259 : vector<8xf32> to vector<8x1xf32>
      %eq3A_261 = vector.broadcast %broadcast_in_dim3A_260 : vector<8x1xf32> to vector<8x4096xf32>
      %eq3A_262 = arith.cmpf oeq, %min3A, %eq3A_261 : vector<8x4096xf32>
      %jit3A_263 = arith.constant 1073741824 : i32
      %broadcast_in_dim3A_264 = vector.broadcast %jit3A_263 : i32 to vector<8x4096xi32>
      %select_n3A_265 = arith.select %eq3A_262, %iota3A, %broadcast_in_dim3A_264 : vector<8x4096xi1>, vector<8x4096xi32>
      %reduce_min3A = arith.constant dense<2147483647> : vector<8xi32>
      %reduce_min3A_266 = vector.multi_reduction <minsi>, %select_n3A_265, %reduce_min3A [1] : vector<8x4096xi32> to vector<8xi32>
      %broadcast_in_dim3A_267 = vector.shape_cast %reduce_min3A_266 : vector<8xi32> to vector<8x1xi32>
      scf.yield %broadcast_in_dim3A_267, %select_n3A_238, %select_n3A_241, %select_n3A_244 : vector<8x1xi32>, vector<8x128xf32>, vector<8x128xf32>, vector<8x128xf32>
    }
    %scan3A_146 = arith.constant 128 : i32
    %swap3A_147 = arith.constant 0 : index
    %swap3A_148 = arith.constant 0 : index
    %swap3A_149 = arith.constant 640 : index
    %swap3A_150 = vector.load %arg1[%swap3A_147, %swap3A_148, %swap3A_149] : memref<3x8x1024xf32, #tpu.memory_space<vmem>>, vector<1x8x128xf32>
    %swap3A_151 = vector.shape_cast %swap3A_150 : vector<1x8x128xf32> to vector<8x128xf32>
    %swap3A_152 = vector.shape_cast %scan3A_145#1 : vector<8x128xf32> to vector<1x8x128xf32>
    tpu.vector_store %arg1[%swap3A_147, %swap3A_148, %swap3A_149], %swap3A_152 {strides = array<i32>} : memref<3x8x1024xf32, #tpu.memory_space<vmem>>, vector<1x8x128xf32>,
    %swap3A_153 = arith.constant 1 : index
    %swap3A_154 = arith.constant 0 : index
    %swap3A_155 = arith.constant 640 : index
    %swap3A_156 = vector.load %arg1[%swap3A_153, %swap3A_154, %swap3A_155] : memref<3x8x1024xf32, #tpu.memory_space<vmem>>, vector<1x8x128xf32>
    %swap3A_157 = vector.shape_cast %swap3A_156 : vector<1x8x128xf32> to vector<8x128xf32>
    %swap3A_158 = vector.shape_cast %scan3A_145#2 : vector<8x128xf32> to vector<1x8x128xf32>
    tpu.vector_store %arg1[%swap3A_153, %swap3A_154, %swap3A_155], %swap3A_158 {strides = array<i32>} : memref<3x8x1024xf32, #tpu.memory_space<vmem>>, vector<1x8x128xf32>,
    %swap3A_159 = arith.constant 2 : index
    %swap3A_160 = arith.constant 0 : index
    %swap3A_161 = arith.constant 640 : index
    %swap3A_162 = vector.load %arg1[%swap3A_159, %swap3A_160, %swap3A_161] : memref<3x8x1024xf32, #tpu.memory_space<vmem>>, vector<1x8x128xf32>
    %swap3A_163 = vector.shape_cast %swap3A_162 : vector<1x8x128xf32> to vector<8x128xf32>
    %swap3A_164 = vector.shape_cast %scan3A_145#3 : vector<8x128xf32> to vector<1x8x128xf32>
    tpu.vector_store %arg1[%swap3A_159, %swap3A_160, %swap3A_161], %swap3A_164 {strides = array<i32>} : memref<3x8x1024xf32, #tpu.memory_space<vmem>>, vector<1x8x128xf32>,
    %scan3A_165 = arith.constant 0 : i32
    %scan3A_166 = arith.constant 128 : i32
    %scan3A_167 = arith.addi %scan3A_165, %scan3A_166 : i32
    %scan3A_168 = arith.constant 1 : i32
    %scan3A_169:4 = scf.for %scan3A_213 = %scan3A_165 to %scan3A_167 step %scan3A_168 iter_args(%scan3A_214 = %scan3A_145#0, %scan3A_215 = %broadcast_in_dim3A_21, %scan3A_216 = %broadcast_in_dim3A_21, %scan3A_217 = %broadcast_in_dim3A_21) -> (vector<8x1xi32>, vector<8x128xf32>, vector<8x128xf32>, vector<8x128xf32>)  : i32 {
      %eq3A = vector.broadcast %scan3A_214 : vector<8x1xi32> to vector<8x4096xi32>
      %eq3A_218 = arith.cmpi eq, %iota3A, %eq3A : vector<8x4096xi32>
      %jit3A = arith.constant 0.000000e+00 : f32
      %broadcast_in_dim3A_219 = vector.broadcast %jit3A : f32 to vector<8x4096xf32>
      %select_n3A = arith.select %eq3A_218, %get3A_3, %broadcast_in_dim3A_219 : vector<8x4096xi1>, vector<8x4096xf32>
      %reduce_sum3A = arith.constant dense<0.000000e+00> : vector<8xf32>
      %reduce_sum3A_220 = vector.multi_reduction <add>, %select_n3A, %reduce_sum3A [1] : vector<8x4096xf32> to vector<8xf32>
      %broadcast_in_dim3A_221 = vector.shape_cast %reduce_sum3A_220 : vector<8xf32> to vector<8x1xf32>
      %jit3A_222 = arith.constant 0.000000e+00 : f32
      %broadcast_in_dim3A_223 = vector.broadcast %jit3A_222 : f32 to vector<8x4096xf32>
      %select_n3A_224 = arith.select %eq3A_218, %get3A_8, %broadcast_in_dim3A_223 : vector<8x4096xi1>, vector<8x4096xf32>
      %reduce_sum3A_225 = arith.constant dense<0.000000e+00> : vector<8xf32>
      %reduce_sum3A_226 = vector.multi_reduction <add>, %select_n3A_224, %reduce_sum3A_225 [1] : vector<8x4096xf32> to vector<8xf32>
      %broadcast_in_dim3A_227 = vector.shape_cast %reduce_sum3A_226 : vector<8xf32> to vector<8x1xf32>
      %jit3A_228 = arith.constant 0.000000e+00 : f32
      %broadcast_in_dim3A_229 = vector.broadcast %jit3A_228 : f32 to vector<8x4096xf32>
      %select_n3A_230 = arith.select %eq3A_218, %get3A_13, %broadcast_in_dim3A_229 : vector<8x4096xi1>, vector<8x4096xf32>
      %reduce_sum3A_231 = arith.constant dense<0.000000e+00> : vector<8xf32>
      %reduce_sum3A_232 = vector.multi_reduction <add>, %select_n3A_230, %reduce_sum3A_231 [1] : vector<8x4096xf32> to vector<8xf32>
      %broadcast_in_dim3A_233 = vector.shape_cast %reduce_sum3A_232 : vector<8xf32> to vector<8x1xf32>
      %eq3A_234 = vector.broadcast %scan3A_213 : i32 to vector<8x128xi32>
      %eq3A_235 = arith.cmpi eq, %iota3A_14, %eq3A_234 : vector<8x128xi32>
      %broadcast_in_dim3A_236 = vector.shape_cast %broadcast_in_dim3A_221 : vector<8x1xf32> to vector<8x1xf32>
      %broadcast_in_dim3A_237 = vector.broadcast %broadcast_in_dim3A_236 : vector<8x1xf32> to vector<8x128xf32>
      %select_n3A_238 = arith.select %eq3A_235, %broadcast_in_dim3A_237, %scan3A_215 : vector<8x128xi1>, vector<8x128xf32>
      %broadcast_in_dim3A_239 = vector.shape_cast %broadcast_in_dim3A_227 : vector<8x1xf32> to vector<8x1xf32>
      %broadcast_in_dim3A_240 = vector.broadcast %broadcast_in_dim3A_239 : vector<8x1xf32> to vector<8x128xf32>
      %select_n3A_241 = arith.select %eq3A_235, %broadcast_in_dim3A_240, %scan3A_216 : vector<8x128xi1>, vector<8x128xf32>
      %broadcast_in_dim3A_242 = vector.shape_cast %broadcast_in_dim3A_233 : vector<8x1xf32> to vector<8x1xf32>
      %broadcast_in_dim3A_243 = vector.broadcast %broadcast_in_dim3A_242 : vector<8x1xf32> to vector<8x128xf32>
      %select_n3A_244 = arith.select %eq3A_235, %broadcast_in_dim3A_243, %scan3A_217 : vector<8x128xi1>, vector<8x128xf32>
      %sub3A = vector.broadcast %broadcast_in_dim3A_221 : vector<8x1xf32> to vector<8x4096xf32>
      %sub3A_245 = arith.subf %get3A_3, %sub3A : vector<8x4096xf32>
      %sub3A_246 = vector.broadcast %broadcast_in_dim3A_227 : vector<8x1xf32> to vector<8x4096xf32>
      %sub3A_247 = arith.subf %get3A_8, %sub3A_246 : vector<8x4096xf32>
      %sub3A_248 = vector.broadcast %broadcast_in_dim3A_233 : vector<8x1xf32> to vector<8x4096xf32>
      %sub3A_249 = arith.subf %get3A_13, %sub3A_248 : vector<8x4096xf32>
      %mul3A = arith.mulf %sub3A_245, %sub3A_245 : vector<8x4096xf32>
      %mul3A_250 = arith.mulf %sub3A_247, %sub3A_247 : vector<8x4096xf32>
      %add3A = arith.addf %mul3A, %mul3A_250 : vector<8x4096xf32>
      %mul3A_251 = arith.mulf %sub3A_249, %sub3A_249 : vector<8x4096xf32>
      %add3A_252 = arith.addf %add3A, %mul3A_251 : vector<8x4096xf32>
      %get3A_253 = arith.constant 0 : index
      %get3A_254 = arith.constant 0 : index
      %get3A_255 = vector.load %arg2[%get3A_253, %get3A_254] : memref<8x4096xf32, #tpu.memory_space<vmem>>, vector<8x4096xf32>
      %min3A = arith.minimumf %get3A_255, %add3A_252 : vector<8x4096xf32>
      %swap3A_256 = arith.constant 0 : index
      %swap3A_257 = arith.constant 0 : index
      %swap3A_258 = vector.load %arg2[%swap3A_256, %swap3A_257] : memref<8x4096xf32, #tpu.memory_space<vmem>>, vector<8x4096xf32>
      tpu.vector_store %arg2[%swap3A_256, %swap3A_257], %min3A {strides = array<i32>} : memref<8x4096xf32, #tpu.memory_space<vmem>>, vector<8x4096xf32>,
      %reduce_max3A = arith.constant dense<0xFF800000> : vector<8xf32>
      %reduce_max3A_259 = vector.multi_reduction <maximumf>, %min3A, %reduce_max3A [1] : vector<8x4096xf32> to vector<8xf32>
      %broadcast_in_dim3A_260 = vector.shape_cast %reduce_max3A_259 : vector<8xf32> to vector<8x1xf32>
      %eq3A_261 = vector.broadcast %broadcast_in_dim3A_260 : vector<8x1xf32> to vector<8x4096xf32>
      %eq3A_262 = arith.cmpf oeq, %min3A, %eq3A_261 : vector<8x4096xf32>
      %jit3A_263 = arith.constant 1073741824 : i32
      %broadcast_in_dim3A_264 = vector.broadcast %jit3A_263 : i32 to vector<8x4096xi32>
      %select_n3A_265 = arith.select %eq3A_262, %iota3A, %broadcast_in_dim3A_264 : vector<8x4096xi1>, vector<8x4096xi32>
      %reduce_min3A = arith.constant dense<2147483647> : vector<8xi32>
      %reduce_min3A_266 = vector.multi_reduction <minsi>, %select_n3A_265, %reduce_min3A [1] : vector<8x4096xi32> to vector<8xi32>
      %broadcast_in_dim3A_267 = vector.shape_cast %reduce_min3A_266 : vector<8xi32> to vector<8x1xi32>
      scf.yield %broadcast_in_dim3A_267, %select_n3A_238, %select_n3A_241, %select_n3A_244 : vector<8x1xi32>, vector<8x128xf32>, vector<8x128xf32>, vector<8x128xf32>
    }
    %scan3A_170 = arith.constant 128 : i32
    %swap3A_171 = arith.constant 0 : index
    %swap3A_172 = arith.constant 0 : index
    %swap3A_173 = arith.constant 768 : index
    %swap3A_174 = vector.load %arg1[%swap3A_171, %swap3A_172, %swap3A_173] : memref<3x8x1024xf32, #tpu.memory_space<vmem>>, vector<1x8x128xf32>
    %swap3A_175 = vector.shape_cast %swap3A_174 : vector<1x8x128xf32> to vector<8x128xf32>
    %swap3A_176 = vector.shape_cast %scan3A_169#1 : vector<8x128xf32> to vector<1x8x128xf32>
    tpu.vector_store %arg1[%swap3A_171, %swap3A_172, %swap3A_173], %swap3A_176 {strides = array<i32>} : memref<3x8x1024xf32, #tpu.memory_space<vmem>>, vector<1x8x128xf32>,
    %swap3A_177 = arith.constant 1 : index
    %swap3A_178 = arith.constant 0 : index
    %swap3A_179 = arith.constant 768 : index
    %swap3A_180 = vector.load %arg1[%swap3A_177, %swap3A_178, %swap3A_179] : memref<3x8x1024xf32, #tpu.memory_space<vmem>>, vector<1x8x128xf32>
    %swap3A_181 = vector.shape_cast %swap3A_180 : vector<1x8x128xf32> to vector<8x128xf32>
    %swap3A_182 = vector.shape_cast %scan3A_169#2 : vector<8x128xf32> to vector<1x8x128xf32>
    tpu.vector_store %arg1[%swap3A_177, %swap3A_178, %swap3A_179], %swap3A_182 {strides = array<i32>} : memref<3x8x1024xf32, #tpu.memory_space<vmem>>, vector<1x8x128xf32>,
    %swap3A_183 = arith.constant 2 : index
    %swap3A_184 = arith.constant 0 : index
    %swap3A_185 = arith.constant 768 : index
    %swap3A_186 = vector.load %arg1[%swap3A_183, %swap3A_184, %swap3A_185] : memref<3x8x1024xf32, #tpu.memory_space<vmem>>, vector<1x8x128xf32>
    %swap3A_187 = vector.shape_cast %swap3A_186 : vector<1x8x128xf32> to vector<8x128xf32>
    %swap3A_188 = vector.shape_cast %scan3A_169#3 : vector<8x128xf32> to vector<1x8x128xf32>
    tpu.vector_store %arg1[%swap3A_183, %swap3A_184, %swap3A_185], %swap3A_188 {strides = array<i32>} : memref<3x8x1024xf32, #tpu.memory_space<vmem>>, vector<1x8x128xf32>,
    %scan3A_189 = arith.constant 0 : i32
    %scan3A_190 = arith.constant 128 : i32
    %scan3A_191 = arith.addi %scan3A_189, %scan3A_190 : i32
    %scan3A_192 = arith.constant 1 : i32
    %scan3A_193:4 = scf.for %scan3A_213 = %scan3A_189 to %scan3A_191 step %scan3A_192 iter_args(%scan3A_214 = %scan3A_169#0, %scan3A_215 = %broadcast_in_dim3A_21, %scan3A_216 = %broadcast_in_dim3A_21, %scan3A_217 = %broadcast_in_dim3A_21) -> (vector<8x1xi32>, vector<8x128xf32>, vector<8x128xf32>, vector<8x128xf32>)  : i32 {
      %eq3A = vector.broadcast %scan3A_214 : vector<8x1xi32> to vector<8x4096xi32>
      %eq3A_218 = arith.cmpi eq, %iota3A, %eq3A : vector<8x4096xi32>
      %jit3A = arith.constant 0.000000e+00 : f32
      %broadcast_in_dim3A_219 = vector.broadcast %jit3A : f32 to vector<8x4096xf32>
      %select_n3A = arith.select %eq3A_218, %get3A_3, %broadcast_in_dim3A_219 : vector<8x4096xi1>, vector<8x4096xf32>
      %reduce_sum3A = arith.constant dense<0.000000e+00> : vector<8xf32>
      %reduce_sum3A_220 = vector.multi_reduction <add>, %select_n3A, %reduce_sum3A [1] : vector<8x4096xf32> to vector<8xf32>
      %broadcast_in_dim3A_221 = vector.shape_cast %reduce_sum3A_220 : vector<8xf32> to vector<8x1xf32>
      %jit3A_222 = arith.constant 0.000000e+00 : f32
      %broadcast_in_dim3A_223 = vector.broadcast %jit3A_222 : f32 to vector<8x4096xf32>
      %select_n3A_224 = arith.select %eq3A_218, %get3A_8, %broadcast_in_dim3A_223 : vector<8x4096xi1>, vector<8x4096xf32>
      %reduce_sum3A_225 = arith.constant dense<0.000000e+00> : vector<8xf32>
      %reduce_sum3A_226 = vector.multi_reduction <add>, %select_n3A_224, %reduce_sum3A_225 [1] : vector<8x4096xf32> to vector<8xf32>
      %broadcast_in_dim3A_227 = vector.shape_cast %reduce_sum3A_226 : vector<8xf32> to vector<8x1xf32>
      %jit3A_228 = arith.constant 0.000000e+00 : f32
      %broadcast_in_dim3A_229 = vector.broadcast %jit3A_228 : f32 to vector<8x4096xf32>
      %select_n3A_230 = arith.select %eq3A_218, %get3A_13, %broadcast_in_dim3A_229 : vector<8x4096xi1>, vector<8x4096xf32>
      %reduce_sum3A_231 = arith.constant dense<0.000000e+00> : vector<8xf32>
      %reduce_sum3A_232 = vector.multi_reduction <add>, %select_n3A_230, %reduce_sum3A_231 [1] : vector<8x4096xf32> to vector<8xf32>
      %broadcast_in_dim3A_233 = vector.shape_cast %reduce_sum3A_232 : vector<8xf32> to vector<8x1xf32>
      %eq3A_234 = vector.broadcast %scan3A_213 : i32 to vector<8x128xi32>
      %eq3A_235 = arith.cmpi eq, %iota3A_14, %eq3A_234 : vector<8x128xi32>
      %broadcast_in_dim3A_236 = vector.shape_cast %broadcast_in_dim3A_221 : vector<8x1xf32> to vector<8x1xf32>
      %broadcast_in_dim3A_237 = vector.broadcast %broadcast_in_dim3A_236 : vector<8x1xf32> to vector<8x128xf32>
      %select_n3A_238 = arith.select %eq3A_235, %broadcast_in_dim3A_237, %scan3A_215 : vector<8x128xi1>, vector<8x128xf32>
      %broadcast_in_dim3A_239 = vector.shape_cast %broadcast_in_dim3A_227 : vector<8x1xf32> to vector<8x1xf32>
      %broadcast_in_dim3A_240 = vector.broadcast %broadcast_in_dim3A_239 : vector<8x1xf32> to vector<8x128xf32>
      %select_n3A_241 = arith.select %eq3A_235, %broadcast_in_dim3A_240, %scan3A_216 : vector<8x128xi1>, vector<8x128xf32>
      %broadcast_in_dim3A_242 = vector.shape_cast %broadcast_in_dim3A_233 : vector<8x1xf32> to vector<8x1xf32>
      %broadcast_in_dim3A_243 = vector.broadcast %broadcast_in_dim3A_242 : vector<8x1xf32> to vector<8x128xf32>
      %select_n3A_244 = arith.select %eq3A_235, %broadcast_in_dim3A_243, %scan3A_217 : vector<8x128xi1>, vector<8x128xf32>
      %sub3A = vector.broadcast %broadcast_in_dim3A_221 : vector<8x1xf32> to vector<8x4096xf32>
      %sub3A_245 = arith.subf %get3A_3, %sub3A : vector<8x4096xf32>
      %sub3A_246 = vector.broadcast %broadcast_in_dim3A_227 : vector<8x1xf32> to vector<8x4096xf32>
      %sub3A_247 = arith.subf %get3A_8, %sub3A_246 : vector<8x4096xf32>
      %sub3A_248 = vector.broadcast %broadcast_in_dim3A_233 : vector<8x1xf32> to vector<8x4096xf32>
      %sub3A_249 = arith.subf %get3A_13, %sub3A_248 : vector<8x4096xf32>
      %mul3A = arith.mulf %sub3A_245, %sub3A_245 : vector<8x4096xf32>
      %mul3A_250 = arith.mulf %sub3A_247, %sub3A_247 : vector<8x4096xf32>
      %add3A = arith.addf %mul3A, %mul3A_250 : vector<8x4096xf32>
      %mul3A_251 = arith.mulf %sub3A_249, %sub3A_249 : vector<8x4096xf32>
      %add3A_252 = arith.addf %add3A, %mul3A_251 : vector<8x4096xf32>
      %get3A_253 = arith.constant 0 : index
      %get3A_254 = arith.constant 0 : index
      %get3A_255 = vector.load %arg2[%get3A_253, %get3A_254] : memref<8x4096xf32, #tpu.memory_space<vmem>>, vector<8x4096xf32>
      %min3A = arith.minimumf %get3A_255, %add3A_252 : vector<8x4096xf32>
      %swap3A_256 = arith.constant 0 : index
      %swap3A_257 = arith.constant 0 : index
      %swap3A_258 = vector.load %arg2[%swap3A_256, %swap3A_257] : memref<8x4096xf32, #tpu.memory_space<vmem>>, vector<8x4096xf32>
      tpu.vector_store %arg2[%swap3A_256, %swap3A_257], %min3A {strides = array<i32>} : memref<8x4096xf32, #tpu.memory_space<vmem>>, vector<8x4096xf32>,
      %reduce_max3A = arith.constant dense<0xFF800000> : vector<8xf32>
      %reduce_max3A_259 = vector.multi_reduction <maximumf>, %min3A, %reduce_max3A [1] : vector<8x4096xf32> to vector<8xf32>
      %broadcast_in_dim3A_260 = vector.shape_cast %reduce_max3A_259 : vector<8xf32> to vector<8x1xf32>
      %eq3A_261 = vector.broadcast %broadcast_in_dim3A_260 : vector<8x1xf32> to vector<8x4096xf32>
      %eq3A_262 = arith.cmpf oeq, %min3A, %eq3A_261 : vector<8x4096xf32>
      %jit3A_263 = arith.constant 1073741824 : i32
      %broadcast_in_dim3A_264 = vector.broadcast %jit3A_263 : i32 to vector<8x4096xi32>
      %select_n3A_265 = arith.select %eq3A_262, %iota3A, %broadcast_in_dim3A_264 : vector<8x4096xi1>, vector<8x4096xi32>
      %reduce_min3A = arith.constant dense<2147483647> : vector<8xi32>
      %reduce_min3A_266 = vector.multi_reduction <minsi>, %select_n3A_265, %reduce_min3A [1] : vector<8x4096xi32> to vector<8xi32>
      %broadcast_in_dim3A_267 = vector.shape_cast %reduce_min3A_266 : vector<8xi32> to vector<8x1xi32>
      scf.yield %broadcast_in_dim3A_267, %select_n3A_238, %select_n3A_241, %select_n3A_244 : vector<8x1xi32>, vector<8x128xf32>, vector<8x128xf32>, vector<8x128xf32>
    }
    %scan3A_194 = arith.constant 128 : i32
    %swap3A_195 = arith.constant 0 : index
    %swap3A_196 = arith.constant 0 : index
    %swap3A_197 = arith.constant 896 : index
    %swap3A_198 = vector.load %arg1[%swap3A_195, %swap3A_196, %swap3A_197] : memref<3x8x1024xf32, #tpu.memory_space<vmem>>, vector<1x8x128xf32>
    %swap3A_199 = vector.shape_cast %swap3A_198 : vector<1x8x128xf32> to vector<8x128xf32>
    %swap3A_200 = vector.shape_cast %scan3A_193#1 : vector<8x128xf32> to vector<1x8x128xf32>
    tpu.vector_store %arg1[%swap3A_195, %swap3A_196, %swap3A_197], %swap3A_200 {strides = array<i32>} : memref<3x8x1024xf32, #tpu.memory_space<vmem>>, vector<1x8x128xf32>,
    %swap3A_201 = arith.constant 1 : index
    %swap3A_202 = arith.constant 0 : index
    %swap3A_203 = arith.constant 896 : index
    %swap3A_204 = vector.load %arg1[%swap3A_201, %swap3A_202, %swap3A_203] : memref<3x8x1024xf32, #tpu.memory_space<vmem>>, vector<1x8x128xf32>
    %swap3A_205 = vector.shape_cast %swap3A_204 : vector<1x8x128xf32> to vector<8x128xf32>
    %swap3A_206 = vector.shape_cast %scan3A_193#2 : vector<8x128xf32> to vector<1x8x128xf32>
    tpu.vector_store %arg1[%swap3A_201, %swap3A_202, %swap3A_203], %swap3A_206 {strides = array<i32>} : memref<3x8x1024xf32, #tpu.memory_space<vmem>>, vector<1x8x128xf32>,
    %swap3A_207 = arith.constant 2 : index
    %swap3A_208 = arith.constant 0 : index
    %swap3A_209 = arith.constant 896 : index
    %swap3A_210 = vector.load %arg1[%swap3A_207, %swap3A_208, %swap3A_209] : memref<3x8x1024xf32, #tpu.memory_space<vmem>>, vector<1x8x128xf32>
    %swap3A_211 = vector.shape_cast %swap3A_210 : vector<1x8x128xf32> to vector<8x128xf32>
    %swap3A_212 = vector.shape_cast %scan3A_193#3 : vector<8x128xf32> to vector<1x8x128xf32>
    tpu.vector_store %arg1[%swap3A_207, %swap3A_208, %swap3A_209], %swap3A_212 {strides = array<i32>} : memref<3x8x1024xf32, #tpu.memory_space<vmem>>, vector<1x8x128xf32>,
    return
  }
}

module attributes {stable_mosaic.version = 14 : i64} {
  func.func @_dense_body(%arg0: i32, %arg1: memref<4096x64xf32, #tpu.memory_space<vmem>>, %arg2: memref<64x64xf32, #tpu.memory_space<vmem>>, %arg3: memref<1x64xf32, #tpu.memory_space<vmem>>, %arg4: memref<4096x64xf32, #tpu.memory_space<vmem>>) attributes {dimension_semantics = [#tpu.dimension_semantics<parallel>], iteration_bounds = array<i64: 8>, scalar_prefetch = 0 : i64, scratch_operands = 0 : i64, tpu.core_type = #tpu.core_type<tc>, window_params = [{transform_indices = @transform_0, window_bounds = array<i64: 4096, 64>}, {pipeline_mode = #tpu.pipeline_mode<synchronous>, transform_indices = @transform_1, window_bounds = array<i64: 64, 64>}, {pipeline_mode = #tpu.pipeline_mode<synchronous>, transform_indices = @transform_2, window_bounds = array<i64: 1, 64>}, {transform_indices = @transform_3, window_bounds = array<i64: 4096, 64>}]} {
    %get3A = arith.constant 0 : index
    %get3A_0 = arith.constant 0 : index
    %get3A_1 = vector.load %arg1[%get3A, %get3A_0] : memref<4096x64xf32, #tpu.memory_space<vmem>>, vector<4096x64xf32>
    %get3A_2 = arith.constant 0 : index
    %get3A_3 = arith.constant 0 : index
    %get3A_4 = vector.load %arg2[%get3A_2, %get3A_3] : memref<64x64xf32, #tpu.memory_space<vmem>>, vector<64x64xf32>
    %dot_general3A = arith.constant dense<0.000000e+00> : vector<4096x64xf32>
    %dot_general3A_5 = tpu.matmul %get3A_1, %get3A_4, %dot_general3A {dimension_numbers = #tpu.dot_dimension_numbers<[1], [0], [0], [1], [0, 0, 1, 1], [], []>, transpose_lhs_hint = false} : vector<4096x64xf32>, vector<64x64xf32>, vector<4096x64xf32> -> vector<4096x64xf32>
    %get3A_6 = arith.constant 0 : index
    %get3A_7 = arith.constant 0 : index
    %get3A_8 = vector.load %arg3[%get3A_6, %get3A_7] : memref<1x64xf32, #tpu.memory_space<vmem>>, vector<1x64xf32>
    %add3A = vector.broadcast %get3A_8 : vector<1x64xf32> to vector<4096x64xf32>
    %add3A_9 = arith.addf %dot_general3A_5, %add3A : vector<4096x64xf32>
    %gt3A = arith.constant 0.000000e+00 : f32
    %gt3A_10 = vector.broadcast %gt3A : f32 to vector<4096x64xf32>
    %gt3A_11 = arith.cmpf ogt, %add3A_9, %gt3A_10 : vector<4096x64xf32>
    %min3A = arith.constant 0.000000e+00 : f32
    %min3A_12 = vector.broadcast %min3A : f32 to vector<4096x64xf32>
    %min3A_13 = arith.minimumf %add3A_9, %min3A_12 : vector<4096x64xf32>
    %exp3A = math.exp %min3A_13 : vector<4096x64xf32>
    %sub3A = arith.constant 1.000000e+00 : f32
    %sub3A_14 = vector.broadcast %sub3A : f32 to vector<4096x64xf32>
    %sub3A_15 = arith.subf %exp3A, %sub3A_14 : vector<4096x64xf32>
    %select_n3A = arith.select %gt3A_11, %add3A_9, %sub3A_15 : vector<4096x64xi1>, vector<4096x64xf32>
    %swap3A = arith.constant 0 : index
    %swap3A_16 = arith.constant 0 : index
    %swap3A_17 = vector.load %arg4[%swap3A, %swap3A_16] : memref<4096x64xf32, #tpu.memory_space<vmem>>, vector<4096x64xf32>
    tpu.vector_store %arg4[%swap3A, %swap3A_16], %select_n3A {strides = array<i32>} : memref<4096x64xf32, #tpu.memory_space<vmem>>, vector<4096x64xf32>,
    return
  }
  func.func @transform_0(%arg0: i32) -> (i32, i32) {
    %c0_i32 = arith.constant 0 : i32
    %c0_i32_0 = arith.constant 0 : i32
    return %arg0, %c0_i32 : i32, i32
  }
  func.func @transform_1(%arg0: i32) -> (i32, i32) {
    %c0_i32 = arith.constant 0 : i32
    %c0_i32_0 = arith.constant 0 : i32
    %c0_i32_1 = arith.constant 0 : i32
    return %c0_i32, %c0_i32_0 : i32, i32
  }
  func.func @transform_2(%arg0: i32) -> (i32, i32) {
    %c0_i32 = arith.constant 0 : i32
    %c0_i32_0 = arith.constant 0 : i32
    %c0_i32_1 = arith.constant 0 : i32
    return %c0_i32, %c0_i32_0 : i32, i32
  }
  func.func @transform_3(%arg0: i32) -> (i32, i32) {
    %c0_i32 = arith.constant 0 : i32
    %c0_i32_0 = arith.constant 0 : i32
    return %arg0, %c0_i32 : i32, i32
  }
}

module attributes {stable_mosaic.version = 14 : i64} {
  func.func @_knn_body(%arg0: i32, %arg1: i32, %arg2: memref<8x3x4096xf32, #tpu.memory_space<vmem>>, %arg3: memref<8x1024x3xf32, #tpu.memory_space<vmem>>, %arg4: memref<1x256x16xi32, #tpu.memory_space<vmem>>) attributes {dimension_semantics = [#tpu.dimension_semantics<parallel>, #tpu.dimension_semantics<parallel>], iteration_bounds = array<i64: 8, 4>, scalar_prefetch = 0 : i64, scratch_operands = 0 : i64, tpu.core_type = #tpu.core_type<tc>, window_params = [{pipeline_mode = #tpu.pipeline_mode<synchronous>, transform_indices = @transform_0, window_bounds = array<i64: 8, 3, 4096>}, {pipeline_mode = #tpu.pipeline_mode<synchronous>, transform_indices = @transform_1, window_bounds = array<i64: 8, 1024, 3>}, {transform_indices = @transform_2, window_bounds = array<i64: 1, 256, 16>}]} {
    %get3A = arith.index_cast %arg0 : i32 to index
    %get3A_0 = arith.constant 0 : index
    %get3A_1 = arith.constant 0 : index
    %get3A_2 = vector.load %arg2[%get3A, %get3A_0, %get3A_1] : memref<8x3x4096xf32, #tpu.memory_space<vmem>>, vector<1x1x4096xf32>
    %get3A_3 = vector.shape_cast %get3A_2 : vector<1x1x4096xf32> to vector<1x4096xf32>
    %get3A_4 = arith.index_cast %arg0 : i32 to index
    %get3A_5 = arith.constant 1 : index
    %get3A_6 = arith.constant 0 : index
    %get3A_7 = vector.load %arg2[%get3A_4, %get3A_5, %get3A_6] : memref<8x3x4096xf32, #tpu.memory_space<vmem>>, vector<1x1x4096xf32>
    %get3A_8 = vector.shape_cast %get3A_7 : vector<1x1x4096xf32> to vector<1x4096xf32>
    %get3A_9 = arith.index_cast %arg0 : i32 to index
    %get3A_10 = arith.constant 2 : index
    %get3A_11 = arith.constant 0 : index
    %get3A_12 = vector.load %arg2[%get3A_9, %get3A_10, %get3A_11] : memref<8x3x4096xf32, #tpu.memory_space<vmem>>, vector<1x1x4096xf32>
    %get3A_13 = vector.shape_cast %get3A_12 : vector<1x1x4096xf32> to vector<1x4096xf32>
    %mul3A = arith.constant 256 : i32
    %mul3A_14 = arith.muli %arg1, %mul3A : i32
    %get3A_15 = arith.index_cast %arg0 : i32 to index
    %get3A_16 = arith.index_cast %mul3A_14 : i32 to index
    %get3A_17 = arith.constant 0 : index
    %get3A_18 = vector.load %arg3[%get3A_15, %get3A_16, %get3A_17] : memref<8x1024x3xf32, #tpu.memory_space<vmem>>, vector<1x256x3xf32>
    %get3A_19 = vector.shape_cast %get3A_18 : vector<1x256x3xf32> to vector<256x3xf32>
    %slice3A = vector.extract_strided_slice %get3A_19 {offsets = [0, 0], sizes = [256, 1], strides = [1, 1]} : vector<256x3xf32> to vector<256x1xf32>
    %slice3A_20 = vector.extract_strided_slice %get3A_19 {offsets = [0, 1], sizes = [256, 1], strides = [1, 1]} : vector<256x3xf32> to vector<256x1xf32>
    %slice3A_21 = vector.extract_strided_slice %get3A_19 {offsets = [0, 2], sizes = [256, 1], strides = [1, 1]} : vector<256x3xf32> to vector<256x1xf32>
    %sub3A = vector.broadcast %slice3A : vector<256x1xf32> to vector<256x4096xf32>
    %sub3A_22 = vector.broadcast %get3A_3 : vector<1x4096xf32> to vector<256x4096xf32>
    %sub3A_23 = arith.subf %sub3A, %sub3A_22 : vector<256x4096xf32>
    %sub3A_24 = vector.broadcast %slice3A_20 : vector<256x1xf32> to vector<256x4096xf32>
    %sub3A_25 = vector.broadcast %get3A_8 : vector<1x4096xf32> to vector<256x4096xf32>
    %sub3A_26 = arith.subf %sub3A_24, %sub3A_25 : vector<256x4096xf32>
    %sub3A_27 = vector.broadcast %slice3A_21 : vector<256x1xf32> to vector<256x4096xf32>
    %sub3A_28 = vector.broadcast %get3A_13 : vector<1x4096xf32> to vector<256x4096xf32>
    %sub3A_29 = arith.subf %sub3A_27, %sub3A_28 : vector<256x4096xf32>
    %mul3A_30 = arith.mulf %sub3A_23, %sub3A_23 : vector<256x4096xf32>
    %mul3A_31 = arith.mulf %sub3A_26, %sub3A_26 : vector<256x4096xf32>
    %add3A = arith.addf %mul3A_30, %mul3A_31 : vector<256x4096xf32>
    %mul3A_32 = arith.mulf %sub3A_29, %sub3A_29 : vector<256x4096xf32>
    %add3A_33 = arith.addf %add3A, %mul3A_32 : vector<256x4096xf32>
    %iota3A = tpu.iota {dimensions = array<i32: 1>} : vector<256x4096xi32>
    %reduce_min3A = arith.constant dense<0x7F800000> : vector<256xf32>
    %reduce_min3A_34 = vector.multi_reduction <minimumf>, %add3A_33, %reduce_min3A [1] : vector<256x4096xf32> to vector<256xf32>
    %broadcast_in_dim3A = vector.shape_cast %reduce_min3A_34 : vector<256xf32> to vector<256x1xf32>
    %eq3A = vector.broadcast %broadcast_in_dim3A : vector<256x1xf32> to vector<256x4096xf32>
    %eq3A_35 = arith.cmpf oeq, %add3A_33, %eq3A : vector<256x4096xf32>
    %jit3A = arith.constant 1073741824 : i32
    %broadcast_in_dim3A_36 = vector.broadcast %jit3A : i32 to vector<256x4096xi32>
    %select_n3A = arith.select %eq3A_35, %iota3A, %broadcast_in_dim3A_36 : vector<256x4096xi1>, vector<256x4096xi32>
    %reduce_min3A_37 = arith.constant dense<2147483647> : vector<256xi32>
    %reduce_min3A_38 = vector.multi_reduction <minsi>, %select_n3A, %reduce_min3A_37 [1] : vector<256x4096xi32> to vector<256xi32>
    %broadcast_in_dim3A_39 = vector.shape_cast %reduce_min3A_38 : vector<256xi32> to vector<256x1xi32>
    %eq3A_40 = vector.broadcast %broadcast_in_dim3A_39 : vector<256x1xi32> to vector<256x4096xi32>
    %eq3A_41 = arith.cmpi eq, %iota3A, %eq3A_40 : vector<256x4096xi32>
    %jit3A_42 = arith.constant 0x7F800000 : f32
    %broadcast_in_dim3A_43 = vector.broadcast %jit3A_42 : f32 to vector<256x4096xf32>
    %select_n3A_44 = arith.select %eq3A_41, %broadcast_in_dim3A_43, %add3A_33 : vector<256x4096xi1>, vector<256x4096xf32>
    %reduce_min3A_45 = arith.constant dense<0x7F800000> : vector<256xf32>
    %reduce_min3A_46 = vector.multi_reduction <minimumf>, %select_n3A_44, %reduce_min3A_45 [1] : vector<256x4096xf32> to vector<256xf32>
    %broadcast_in_dim3A_47 = vector.shape_cast %reduce_min3A_46 : vector<256xf32> to vector<256x1xf32>
    %eq3A_48 = vector.broadcast %broadcast_in_dim3A_47 : vector<256x1xf32> to vector<256x4096xf32>
    %eq3A_49 = arith.cmpf oeq, %select_n3A_44, %eq3A_48 : vector<256x4096xf32>
    %jit3A_50 = arith.constant 1073741824 : i32
    %broadcast_in_dim3A_51 = vector.broadcast %jit3A_50 : i32 to vector<256x4096xi32>
    %select_n3A_52 = arith.select %eq3A_49, %iota3A, %broadcast_in_dim3A_51 : vector<256x4096xi1>, vector<256x4096xi32>
    %reduce_min3A_53 = arith.constant dense<2147483647> : vector<256xi32>
    %reduce_min3A_54 = vector.multi_reduction <minsi>, %select_n3A_52, %reduce_min3A_53 [1] : vector<256x4096xi32> to vector<256xi32>
    %broadcast_in_dim3A_55 = vector.shape_cast %reduce_min3A_54 : vector<256xi32> to vector<256x1xi32>
    %eq3A_56 = vector.broadcast %broadcast_in_dim3A_55 : vector<256x1xi32> to vector<256x4096xi32>
    %eq3A_57 = arith.cmpi eq, %iota3A, %eq3A_56 : vector<256x4096xi32>
    %jit3A_58 = arith.constant 0x7F800000 : f32
    %broadcast_in_dim3A_59 = vector.broadcast %jit3A_58 : f32 to vector<256x4096xf32>
    %select_n3A_60 = arith.select %eq3A_57, %broadcast_in_dim3A_59, %select_n3A_44 : vector<256x4096xi1>, vector<256x4096xf32>
    %reduce_min3A_61 = arith.constant dense<0x7F800000> : vector<256xf32>
    %reduce_min3A_62 = vector.multi_reduction <minimumf>, %select_n3A_60, %reduce_min3A_61 [1] : vector<256x4096xf32> to vector<256xf32>
    %broadcast_in_dim3A_63 = vector.shape_cast %reduce_min3A_62 : vector<256xf32> to vector<256x1xf32>
    %eq3A_64 = vector.broadcast %broadcast_in_dim3A_63 : vector<256x1xf32> to vector<256x4096xf32>
    %eq3A_65 = arith.cmpf oeq, %select_n3A_60, %eq3A_64 : vector<256x4096xf32>
    %jit3A_66 = arith.constant 1073741824 : i32
    %broadcast_in_dim3A_67 = vector.broadcast %jit3A_66 : i32 to vector<256x4096xi32>
    %select_n3A_68 = arith.select %eq3A_65, %iota3A, %broadcast_in_dim3A_67 : vector<256x4096xi1>, vector<256x4096xi32>
    %reduce_min3A_69 = arith.constant dense<2147483647> : vector<256xi32>
    %reduce_min3A_70 = vector.multi_reduction <minsi>, %select_n3A_68, %reduce_min3A_69 [1] : vector<256x4096xi32> to vector<256xi32>
    %broadcast_in_dim3A_71 = vector.shape_cast %reduce_min3A_70 : vector<256xi32> to vector<256x1xi32>
    %eq3A_72 = vector.broadcast %broadcast_in_dim3A_71 : vector<256x1xi32> to vector<256x4096xi32>
    %eq3A_73 = arith.cmpi eq, %iota3A, %eq3A_72 : vector<256x4096xi32>
    %jit3A_74 = arith.constant 0x7F800000 : f32
    %broadcast_in_dim3A_75 = vector.broadcast %jit3A_74 : f32 to vector<256x4096xf32>
    %select_n3A_76 = arith.select %eq3A_73, %broadcast_in_dim3A_75, %select_n3A_60 : vector<256x4096xi1>, vector<256x4096xf32>
    %reduce_min3A_77 = arith.constant dense<0x7F800000> : vector<256xf32>
    %reduce_min3A_78 = vector.multi_reduction <minimumf>, %select_n3A_76, %reduce_min3A_77 [1] : vector<256x4096xf32> to vector<256xf32>
    %broadcast_in_dim3A_79 = vector.shape_cast %reduce_min3A_78 : vector<256xf32> to vector<256x1xf32>
    %eq3A_80 = vector.broadcast %broadcast_in_dim3A_79 : vector<256x1xf32> to vector<256x4096xf32>
    %eq3A_81 = arith.cmpf oeq, %select_n3A_76, %eq3A_80 : vector<256x4096xf32>
    %jit3A_82 = arith.constant 1073741824 : i32
    %broadcast_in_dim3A_83 = vector.broadcast %jit3A_82 : i32 to vector<256x4096xi32>
    %select_n3A_84 = arith.select %eq3A_81, %iota3A, %broadcast_in_dim3A_83 : vector<256x4096xi1>, vector<256x4096xi32>
    %reduce_min3A_85 = arith.constant dense<2147483647> : vector<256xi32>
    %reduce_min3A_86 = vector.multi_reduction <minsi>, %select_n3A_84, %reduce_min3A_85 [1] : vector<256x4096xi32> to vector<256xi32>
    %broadcast_in_dim3A_87 = vector.shape_cast %reduce_min3A_86 : vector<256xi32> to vector<256x1xi32>
    %eq3A_88 = vector.broadcast %broadcast_in_dim3A_87 : vector<256x1xi32> to vector<256x4096xi32>
    %eq3A_89 = arith.cmpi eq, %iota3A, %eq3A_88 : vector<256x4096xi32>
    %jit3A_90 = arith.constant 0x7F800000 : f32
    %broadcast_in_dim3A_91 = vector.broadcast %jit3A_90 : f32 to vector<256x4096xf32>
    %select_n3A_92 = arith.select %eq3A_89, %broadcast_in_dim3A_91, %select_n3A_76 : vector<256x4096xi1>, vector<256x4096xf32>
    %reduce_min3A_93 = arith.constant dense<0x7F800000> : vector<256xf32>
    %reduce_min3A_94 = vector.multi_reduction <minimumf>, %select_n3A_92, %reduce_min3A_93 [1] : vector<256x4096xf32> to vector<256xf32>
    %broadcast_in_dim3A_95 = vector.shape_cast %reduce_min3A_94 : vector<256xf32> to vector<256x1xf32>
    %eq3A_96 = vector.broadcast %broadcast_in_dim3A_95 : vector<256x1xf32> to vector<256x4096xf32>
    %eq3A_97 = arith.cmpf oeq, %select_n3A_92, %eq3A_96 : vector<256x4096xf32>
    %jit3A_98 = arith.constant 1073741824 : i32
    %broadcast_in_dim3A_99 = vector.broadcast %jit3A_98 : i32 to vector<256x4096xi32>
    %select_n3A_100 = arith.select %eq3A_97, %iota3A, %broadcast_in_dim3A_99 : vector<256x4096xi1>, vector<256x4096xi32>
    %reduce_min3A_101 = arith.constant dense<2147483647> : vector<256xi32>
    %reduce_min3A_102 = vector.multi_reduction <minsi>, %select_n3A_100, %reduce_min3A_101 [1] : vector<256x4096xi32> to vector<256xi32>
    %broadcast_in_dim3A_103 = vector.shape_cast %reduce_min3A_102 : vector<256xi32> to vector<256x1xi32>
    %eq3A_104 = vector.broadcast %broadcast_in_dim3A_103 : vector<256x1xi32> to vector<256x4096xi32>
    %eq3A_105 = arith.cmpi eq, %iota3A, %eq3A_104 : vector<256x4096xi32>
    %jit3A_106 = arith.constant 0x7F800000 : f32
    %broadcast_in_dim3A_107 = vector.broadcast %jit3A_106 : f32 to vector<256x4096xf32>
    %select_n3A_108 = arith.select %eq3A_105, %broadcast_in_dim3A_107, %select_n3A_92 : vector<256x4096xi1>, vector<256x4096xf32>
    %reduce_min3A_109 = arith.constant dense<0x7F800000> : vector<256xf32>
    %reduce_min3A_110 = vector.multi_reduction <minimumf>, %select_n3A_108, %reduce_min3A_109 [1] : vector<256x4096xf32> to vector<256xf32>
    %broadcast_in_dim3A_111 = vector.shape_cast %reduce_min3A_110 : vector<256xf32> to vector<256x1xf32>
    %eq3A_112 = vector.broadcast %broadcast_in_dim3A_111 : vector<256x1xf32> to vector<256x4096xf32>
    %eq3A_113 = arith.cmpf oeq, %select_n3A_108, %eq3A_112 : vector<256x4096xf32>
    %jit3A_114 = arith.constant 1073741824 : i32
    %broadcast_in_dim3A_115 = vector.broadcast %jit3A_114 : i32 to vector<256x4096xi32>
    %select_n3A_116 = arith.select %eq3A_113, %iota3A, %broadcast_in_dim3A_115 : vector<256x4096xi1>, vector<256x4096xi32>
    %reduce_min3A_117 = arith.constant dense<2147483647> : vector<256xi32>
    %reduce_min3A_118 = vector.multi_reduction <minsi>, %select_n3A_116, %reduce_min3A_117 [1] : vector<256x4096xi32> to vector<256xi32>
    %broadcast_in_dim3A_119 = vector.shape_cast %reduce_min3A_118 : vector<256xi32> to vector<256x1xi32>
    %eq3A_120 = vector.broadcast %broadcast_in_dim3A_119 : vector<256x1xi32> to vector<256x4096xi32>
    %eq3A_121 = arith.cmpi eq, %iota3A, %eq3A_120 : vector<256x4096xi32>
    %jit3A_122 = arith.constant 0x7F800000 : f32
    %broadcast_in_dim3A_123 = vector.broadcast %jit3A_122 : f32 to vector<256x4096xf32>
    %select_n3A_124 = arith.select %eq3A_121, %broadcast_in_dim3A_123, %select_n3A_108 : vector<256x4096xi1>, vector<256x4096xf32>
    %reduce_min3A_125 = arith.constant dense<0x7F800000> : vector<256xf32>
    %reduce_min3A_126 = vector.multi_reduction <minimumf>, %select_n3A_124, %reduce_min3A_125 [1] : vector<256x4096xf32> to vector<256xf32>
    %broadcast_in_dim3A_127 = vector.shape_cast %reduce_min3A_126 : vector<256xf32> to vector<256x1xf32>
    %eq3A_128 = vector.broadcast %broadcast_in_dim3A_127 : vector<256x1xf32> to vector<256x4096xf32>
    %eq3A_129 = arith.cmpf oeq, %select_n3A_124, %eq3A_128 : vector<256x4096xf32>
    %jit3A_130 = arith.constant 1073741824 : i32
    %broadcast_in_dim3A_131 = vector.broadcast %jit3A_130 : i32 to vector<256x4096xi32>
    %select_n3A_132 = arith.select %eq3A_129, %iota3A, %broadcast_in_dim3A_131 : vector<256x4096xi1>, vector<256x4096xi32>
    %reduce_min3A_133 = arith.constant dense<2147483647> : vector<256xi32>
    %reduce_min3A_134 = vector.multi_reduction <minsi>, %select_n3A_132, %reduce_min3A_133 [1] : vector<256x4096xi32> to vector<256xi32>
    %broadcast_in_dim3A_135 = vector.shape_cast %reduce_min3A_134 : vector<256xi32> to vector<256x1xi32>
    %eq3A_136 = vector.broadcast %broadcast_in_dim3A_135 : vector<256x1xi32> to vector<256x4096xi32>
    %eq3A_137 = arith.cmpi eq, %iota3A, %eq3A_136 : vector<256x4096xi32>
    %jit3A_138 = arith.constant 0x7F800000 : f32
    %broadcast_in_dim3A_139 = vector.broadcast %jit3A_138 : f32 to vector<256x4096xf32>
    %select_n3A_140 = arith.select %eq3A_137, %broadcast_in_dim3A_139, %select_n3A_124 : vector<256x4096xi1>, vector<256x4096xf32>
    %reduce_min3A_141 = arith.constant dense<0x7F800000> : vector<256xf32>
    %reduce_min3A_142 = vector.multi_reduction <minimumf>, %select_n3A_140, %reduce_min3A_141 [1] : vector<256x4096xf32> to vector<256xf32>
    %broadcast_in_dim3A_143 = vector.shape_cast %reduce_min3A_142 : vector<256xf32> to vector<256x1xf32>
    %eq3A_144 = vector.broadcast %broadcast_in_dim3A_143 : vector<256x1xf32> to vector<256x4096xf32>
    %eq3A_145 = arith.cmpf oeq, %select_n3A_140, %eq3A_144 : vector<256x4096xf32>
    %jit3A_146 = arith.constant 1073741824 : i32
    %broadcast_in_dim3A_147 = vector.broadcast %jit3A_146 : i32 to vector<256x4096xi32>
    %select_n3A_148 = arith.select %eq3A_145, %iota3A, %broadcast_in_dim3A_147 : vector<256x4096xi1>, vector<256x4096xi32>
    %reduce_min3A_149 = arith.constant dense<2147483647> : vector<256xi32>
    %reduce_min3A_150 = vector.multi_reduction <minsi>, %select_n3A_148, %reduce_min3A_149 [1] : vector<256x4096xi32> to vector<256xi32>
    %broadcast_in_dim3A_151 = vector.shape_cast %reduce_min3A_150 : vector<256xi32> to vector<256x1xi32>
    %eq3A_152 = vector.broadcast %broadcast_in_dim3A_151 : vector<256x1xi32> to vector<256x4096xi32>
    %eq3A_153 = arith.cmpi eq, %iota3A, %eq3A_152 : vector<256x4096xi32>
    %jit3A_154 = arith.constant 0x7F800000 : f32
    %broadcast_in_dim3A_155 = vector.broadcast %jit3A_154 : f32 to vector<256x4096xf32>
    %select_n3A_156 = arith.select %eq3A_153, %broadcast_in_dim3A_155, %select_n3A_140 : vector<256x4096xi1>, vector<256x4096xf32>
    %reduce_min3A_157 = arith.constant dense<0x7F800000> : vector<256xf32>
    %reduce_min3A_158 = vector.multi_reduction <minimumf>, %select_n3A_156, %reduce_min3A_157 [1] : vector<256x4096xf32> to vector<256xf32>
    %broadcast_in_dim3A_159 = vector.shape_cast %reduce_min3A_158 : vector<256xf32> to vector<256x1xf32>
    %eq3A_160 = vector.broadcast %broadcast_in_dim3A_159 : vector<256x1xf32> to vector<256x4096xf32>
    %eq3A_161 = arith.cmpf oeq, %select_n3A_156, %eq3A_160 : vector<256x4096xf32>
    %jit3A_162 = arith.constant 1073741824 : i32
    %broadcast_in_dim3A_163 = vector.broadcast %jit3A_162 : i32 to vector<256x4096xi32>
    %select_n3A_164 = arith.select %eq3A_161, %iota3A, %broadcast_in_dim3A_163 : vector<256x4096xi1>, vector<256x4096xi32>
    %reduce_min3A_165 = arith.constant dense<2147483647> : vector<256xi32>
    %reduce_min3A_166 = vector.multi_reduction <minsi>, %select_n3A_164, %reduce_min3A_165 [1] : vector<256x4096xi32> to vector<256xi32>
    %broadcast_in_dim3A_167 = vector.shape_cast %reduce_min3A_166 : vector<256xi32> to vector<256x1xi32>
    %eq3A_168 = vector.broadcast %broadcast_in_dim3A_167 : vector<256x1xi32> to vector<256x4096xi32>
    %eq3A_169 = arith.cmpi eq, %iota3A, %eq3A_168 : vector<256x4096xi32>
    %jit3A_170 = arith.constant 0x7F800000 : f32
    %broadcast_in_dim3A_171 = vector.broadcast %jit3A_170 : f32 to vector<256x4096xf32>
    %select_n3A_172 = arith.select %eq3A_169, %broadcast_in_dim3A_171, %select_n3A_156 : vector<256x4096xi1>, vector<256x4096xf32>
    %reduce_min3A_173 = arith.constant dense<0x7F800000> : vector<256xf32>
    %reduce_min3A_174 = vector.multi_reduction <minimumf>, %select_n3A_172, %reduce_min3A_173 [1] : vector<256x4096xf32> to vector<256xf32>
    %broadcast_in_dim3A_175 = vector.shape_cast %reduce_min3A_174 : vector<256xf32> to vector<256x1xf32>
    %eq3A_176 = vector.broadcast %broadcast_in_dim3A_175 : vector<256x1xf32> to vector<256x4096xf32>
    %eq3A_177 = arith.cmpf oeq, %select_n3A_172, %eq3A_176 : vector<256x4096xf32>
    %jit3A_178 = arith.constant 1073741824 : i32
    %broadcast_in_dim3A_179 = vector.broadcast %jit3A_178 : i32 to vector<256x4096xi32>
    %select_n3A_180 = arith.select %eq3A_177, %iota3A, %broadcast_in_dim3A_179 : vector<256x4096xi1>, vector<256x4096xi32>
    %reduce_min3A_181 = arith.constant dense<2147483647> : vector<256xi32>
    %reduce_min3A_182 = vector.multi_reduction <minsi>, %select_n3A_180, %reduce_min3A_181 [1] : vector<256x4096xi32> to vector<256xi32>
    %broadcast_in_dim3A_183 = vector.shape_cast %reduce_min3A_182 : vector<256xi32> to vector<256x1xi32>
    %eq3A_184 = vector.broadcast %broadcast_in_dim3A_183 : vector<256x1xi32> to vector<256x4096xi32>
    %eq3A_185 = arith.cmpi eq, %iota3A, %eq3A_184 : vector<256x4096xi32>
    %jit3A_186 = arith.constant 0x7F800000 : f32
    %broadcast_in_dim3A_187 = vector.broadcast %jit3A_186 : f32 to vector<256x4096xf32>
    %select_n3A_188 = arith.select %eq3A_185, %broadcast_in_dim3A_187, %select_n3A_172 : vector<256x4096xi1>, vector<256x4096xf32>
    %reduce_min3A_189 = arith.constant dense<0x7F800000> : vector<256xf32>
    %reduce_min3A_190 = vector.multi_reduction <minimumf>, %select_n3A_188, %reduce_min3A_189 [1] : vector<256x4096xf32> to vector<256xf32>
    %broadcast_in_dim3A_191 = vector.shape_cast %reduce_min3A_190 : vector<256xf32> to vector<256x1xf32>
    %eq3A_192 = vector.broadcast %broadcast_in_dim3A_191 : vector<256x1xf32> to vector<256x4096xf32>
    %eq3A_193 = arith.cmpf oeq, %select_n3A_188, %eq3A_192 : vector<256x4096xf32>
    %jit3A_194 = arith.constant 1073741824 : i32
    %broadcast_in_dim3A_195 = vector.broadcast %jit3A_194 : i32 to vector<256x4096xi32>
    %select_n3A_196 = arith.select %eq3A_193, %iota3A, %broadcast_in_dim3A_195 : vector<256x4096xi1>, vector<256x4096xi32>
    %reduce_min3A_197 = arith.constant dense<2147483647> : vector<256xi32>
    %reduce_min3A_198 = vector.multi_reduction <minsi>, %select_n3A_196, %reduce_min3A_197 [1] : vector<256x4096xi32> to vector<256xi32>
    %broadcast_in_dim3A_199 = vector.shape_cast %reduce_min3A_198 : vector<256xi32> to vector<256x1xi32>
    %eq3A_200 = vector.broadcast %broadcast_in_dim3A_199 : vector<256x1xi32> to vector<256x4096xi32>
    %eq3A_201 = arith.cmpi eq, %iota3A, %eq3A_200 : vector<256x4096xi32>
    %jit3A_202 = arith.constant 0x7F800000 : f32
    %broadcast_in_dim3A_203 = vector.broadcast %jit3A_202 : f32 to vector<256x4096xf32>
    %select_n3A_204 = arith.select %eq3A_201, %broadcast_in_dim3A_203, %select_n3A_188 : vector<256x4096xi1>, vector<256x4096xf32>
    %reduce_min3A_205 = arith.constant dense<0x7F800000> : vector<256xf32>
    %reduce_min3A_206 = vector.multi_reduction <minimumf>, %select_n3A_204, %reduce_min3A_205 [1] : vector<256x4096xf32> to vector<256xf32>
    %broadcast_in_dim3A_207 = vector.shape_cast %reduce_min3A_206 : vector<256xf32> to vector<256x1xf32>
    %eq3A_208 = vector.broadcast %broadcast_in_dim3A_207 : vector<256x1xf32> to vector<256x4096xf32>
    %eq3A_209 = arith.cmpf oeq, %select_n3A_204, %eq3A_208 : vector<256x4096xf32>
    %jit3A_210 = arith.constant 1073741824 : i32
    %broadcast_in_dim3A_211 = vector.broadcast %jit3A_210 : i32 to vector<256x4096xi32>
    %select_n3A_212 = arith.select %eq3A_209, %iota3A, %broadcast_in_dim3A_211 : vector<256x4096xi1>, vector<256x4096xi32>
    %reduce_min3A_213 = arith.constant dense<2147483647> : vector<256xi32>
    %reduce_min3A_214 = vector.multi_reduction <minsi>, %select_n3A_212, %reduce_min3A_213 [1] : vector<256x4096xi32> to vector<256xi32>
    %broadcast_in_dim3A_215 = vector.shape_cast %reduce_min3A_214 : vector<256xi32> to vector<256x1xi32>
    %eq3A_216 = vector.broadcast %broadcast_in_dim3A_215 : vector<256x1xi32> to vector<256x4096xi32>
    %eq3A_217 = arith.cmpi eq, %iota3A, %eq3A_216 : vector<256x4096xi32>
    %jit3A_218 = arith.constant 0x7F800000 : f32
    %broadcast_in_dim3A_219 = vector.broadcast %jit3A_218 : f32 to vector<256x4096xf32>
    %select_n3A_220 = arith.select %eq3A_217, %broadcast_in_dim3A_219, %select_n3A_204 : vector<256x4096xi1>, vector<256x4096xf32>
    %reduce_min3A_221 = arith.constant dense<0x7F800000> : vector<256xf32>
    %reduce_min3A_222 = vector.multi_reduction <minimumf>, %select_n3A_220, %reduce_min3A_221 [1] : vector<256x4096xf32> to vector<256xf32>
    %broadcast_in_dim3A_223 = vector.shape_cast %reduce_min3A_222 : vector<256xf32> to vector<256x1xf32>
    %eq3A_224 = vector.broadcast %broadcast_in_dim3A_223 : vector<256x1xf32> to vector<256x4096xf32>
    %eq3A_225 = arith.cmpf oeq, %select_n3A_220, %eq3A_224 : vector<256x4096xf32>
    %jit3A_226 = arith.constant 1073741824 : i32
    %broadcast_in_dim3A_227 = vector.broadcast %jit3A_226 : i32 to vector<256x4096xi32>
    %select_n3A_228 = arith.select %eq3A_225, %iota3A, %broadcast_in_dim3A_227 : vector<256x4096xi1>, vector<256x4096xi32>
    %reduce_min3A_229 = arith.constant dense<2147483647> : vector<256xi32>
    %reduce_min3A_230 = vector.multi_reduction <minsi>, %select_n3A_228, %reduce_min3A_229 [1] : vector<256x4096xi32> to vector<256xi32>
    %broadcast_in_dim3A_231 = vector.shape_cast %reduce_min3A_230 : vector<256xi32> to vector<256x1xi32>
    %eq3A_232 = vector.broadcast %broadcast_in_dim3A_231 : vector<256x1xi32> to vector<256x4096xi32>
    %eq3A_233 = arith.cmpi eq, %iota3A, %eq3A_232 : vector<256x4096xi32>
    %jit3A_234 = arith.constant 0x7F800000 : f32
    %broadcast_in_dim3A_235 = vector.broadcast %jit3A_234 : f32 to vector<256x4096xf32>
    %select_n3A_236 = arith.select %eq3A_233, %broadcast_in_dim3A_235, %select_n3A_220 : vector<256x4096xi1>, vector<256x4096xf32>
    %reduce_min3A_237 = arith.constant dense<0x7F800000> : vector<256xf32>
    %reduce_min3A_238 = vector.multi_reduction <minimumf>, %select_n3A_236, %reduce_min3A_237 [1] : vector<256x4096xf32> to vector<256xf32>
    %broadcast_in_dim3A_239 = vector.shape_cast %reduce_min3A_238 : vector<256xf32> to vector<256x1xf32>
    %eq3A_240 = vector.broadcast %broadcast_in_dim3A_239 : vector<256x1xf32> to vector<256x4096xf32>
    %eq3A_241 = arith.cmpf oeq, %select_n3A_236, %eq3A_240 : vector<256x4096xf32>
    %jit3A_242 = arith.constant 1073741824 : i32
    %broadcast_in_dim3A_243 = vector.broadcast %jit3A_242 : i32 to vector<256x4096xi32>
    %select_n3A_244 = arith.select %eq3A_241, %iota3A, %broadcast_in_dim3A_243 : vector<256x4096xi1>, vector<256x4096xi32>
    %reduce_min3A_245 = arith.constant dense<2147483647> : vector<256xi32>
    %reduce_min3A_246 = vector.multi_reduction <minsi>, %select_n3A_244, %reduce_min3A_245 [1] : vector<256x4096xi32> to vector<256xi32>
    %broadcast_in_dim3A_247 = vector.shape_cast %reduce_min3A_246 : vector<256xi32> to vector<256x1xi32>
    %eq3A_248 = vector.broadcast %broadcast_in_dim3A_247 : vector<256x1xi32> to vector<256x4096xi32>
    %eq3A_249 = arith.cmpi eq, %iota3A, %eq3A_248 : vector<256x4096xi32>
    %jit3A_250 = arith.constant 0x7F800000 : f32
    %broadcast_in_dim3A_251 = vector.broadcast %jit3A_250 : f32 to vector<256x4096xf32>
    %select_n3A_252 = arith.select %eq3A_249, %broadcast_in_dim3A_251, %select_n3A_236 : vector<256x4096xi1>, vector<256x4096xf32>
    %reduce_min3A_253 = arith.constant dense<0x7F800000> : vector<256xf32>
    %reduce_min3A_254 = vector.multi_reduction <minimumf>, %select_n3A_252, %reduce_min3A_253 [1] : vector<256x4096xf32> to vector<256xf32>
    %broadcast_in_dim3A_255 = vector.shape_cast %reduce_min3A_254 : vector<256xf32> to vector<256x1xf32>
    %eq3A_256 = vector.broadcast %broadcast_in_dim3A_255 : vector<256x1xf32> to vector<256x4096xf32>
    %eq3A_257 = arith.cmpf oeq, %select_n3A_252, %eq3A_256 : vector<256x4096xf32>
    %jit3A_258 = arith.constant 1073741824 : i32
    %broadcast_in_dim3A_259 = vector.broadcast %jit3A_258 : i32 to vector<256x4096xi32>
    %select_n3A_260 = arith.select %eq3A_257, %iota3A, %broadcast_in_dim3A_259 : vector<256x4096xi1>, vector<256x4096xi32>
    %reduce_min3A_261 = arith.constant dense<2147483647> : vector<256xi32>
    %reduce_min3A_262 = vector.multi_reduction <minsi>, %select_n3A_260, %reduce_min3A_261 [1] : vector<256x4096xi32> to vector<256xi32>
    %broadcast_in_dim3A_263 = vector.shape_cast %reduce_min3A_262 : vector<256xi32> to vector<256x1xi32>
    %eq3A_264 = vector.broadcast %broadcast_in_dim3A_263 : vector<256x1xi32> to vector<256x4096xi32>
    %eq3A_265 = arith.cmpi eq, %iota3A, %eq3A_264 : vector<256x4096xi32>
    %jit3A_266 = arith.constant 0x7F800000 : f32
    %broadcast_in_dim3A_267 = vector.broadcast %jit3A_266 : f32 to vector<256x4096xf32>
    %select_n3A_268 = arith.select %eq3A_265, %broadcast_in_dim3A_267, %select_n3A_252 : vector<256x4096xi1>, vector<256x4096xf32>
    %reduce_min3A_269 = arith.constant dense<0x7F800000> : vector<256xf32>
    %reduce_min3A_270 = vector.multi_reduction <minimumf>, %select_n3A_268, %reduce_min3A_269 [1] : vector<256x4096xf32> to vector<256xf32>
    %broadcast_in_dim3A_271 = vector.shape_cast %reduce_min3A_270 : vector<256xf32> to vector<256x1xf32>
    %eq3A_272 = vector.broadcast %broadcast_in_dim3A_271 : vector<256x1xf32> to vector<256x4096xf32>
    %eq3A_273 = arith.cmpf oeq, %select_n3A_268, %eq3A_272 : vector<256x4096xf32>
    %jit3A_274 = arith.constant 1073741824 : i32
    %broadcast_in_dim3A_275 = vector.broadcast %jit3A_274 : i32 to vector<256x4096xi32>
    %select_n3A_276 = arith.select %eq3A_273, %iota3A, %broadcast_in_dim3A_275 : vector<256x4096xi1>, vector<256x4096xi32>
    %reduce_min3A_277 = arith.constant dense<2147483647> : vector<256xi32>
    %reduce_min3A_278 = vector.multi_reduction <minsi>, %select_n3A_276, %reduce_min3A_277 [1] : vector<256x4096xi32> to vector<256xi32>
    %broadcast_in_dim3A_279 = vector.shape_cast %reduce_min3A_278 : vector<256xi32> to vector<256x1xi32>
    %concatenate3A = tpu.concatenate %broadcast_in_dim3A_39, %broadcast_in_dim3A_55, %broadcast_in_dim3A_71, %broadcast_in_dim3A_87, %broadcast_in_dim3A_103, %broadcast_in_dim3A_119, %broadcast_in_dim3A_135, %broadcast_in_dim3A_151, %broadcast_in_dim3A_167, %broadcast_in_dim3A_183, %broadcast_in_dim3A_199, %broadcast_in_dim3A_215, %broadcast_in_dim3A_231, %broadcast_in_dim3A_247, %broadcast_in_dim3A_263, %broadcast_in_dim3A_279 in 1 : vector<256x1xi32>, vector<256x1xi32>, vector<256x1xi32>, vector<256x1xi32>, vector<256x1xi32>, vector<256x1xi32>, vector<256x1xi32>, vector<256x1xi32>, vector<256x1xi32>, vector<256x1xi32>, vector<256x1xi32>, vector<256x1xi32>, vector<256x1xi32>, vector<256x1xi32>, vector<256x1xi32>, vector<256x1xi32> -> vector<256x16xi32>
    %mul3A_280 = arith.constant 4096 : i32
    %mul3A_281 = arith.muli %arg0, %mul3A_280 : i32
    %add3A_282 = vector.broadcast %mul3A_281 : i32 to vector<256x16xi32>
    %add3A_283 = arith.addi %concatenate3A, %add3A_282 : vector<256x16xi32>
    %swap3A = arith.constant 0 : index
    %swap3A_284 = arith.constant 0 : index
    %swap3A_285 = arith.constant 0 : index
    %swap3A_286 = vector.load %arg4[%swap3A, %swap3A_284, %swap3A_285] : memref<1x256x16xi32, #tpu.memory_space<vmem>>, vector<1x256x16xi32>
    %swap3A_287 = vector.shape_cast %swap3A_286 : vector<1x256x16xi32> to vector<256x16xi32>
    %swap3A_288 = vector.shape_cast %add3A_283 : vector<256x16xi32> to vector<1x256x16xi32>
    tpu.vector_store %arg4[%swap3A, %swap3A_284, %swap3A_285], %swap3A_288 {strides = array<i32>} : memref<1x256x16xi32, #tpu.memory_space<vmem>>, vector<1x256x16xi32>,
    return
  }
  func.func @transform_0(%arg0: i32, %arg1: i32) -> (i32, i32, i32) {
    %c0_i32 = arith.constant 0 : i32
    %c0_i32_0 = arith.constant 0 : i32
    %c0_i32_1 = arith.constant 0 : i32
    %c0_i32_2 = arith.constant 0 : i32
    return %c0_i32, %c0_i32_0, %c0_i32_1 : i32, i32, i32
  }
  func.func @transform_1(%arg0: i32, %arg1: i32) -> (i32, i32, i32) {
    %c0_i32 = arith.constant 0 : i32
    %c0_i32_0 = arith.constant 0 : i32
    %c0_i32_1 = arith.constant 0 : i32
    %c0_i32_2 = arith.constant 0 : i32
    return %c0_i32, %c0_i32_0, %c0_i32_1 : i32, i32, i32
  }
  func.func @transform_2(%arg0: i32, %arg1: i32) -> (i32, i32, i32) {
    %c0_i32 = arith.constant 0 : i32
    %c0_i32_0 = arith.constant 0 : i32
    return %arg0, %arg1, %c0_i32 : i32, i32, i32
  }
}

module attributes {stable_mosaic.version = 14 : i64} {
  func.func @_xconv_body(%arg0: i32, %arg1: memref<128x256xf32, #tpu.memory_space<vmem>>, %arg2: memref<128x1024xf32, #tpu.memory_space<vmem>>, %arg3: memref<128x4xf32, #tpu.memory_space<vmem>>, %arg4: memref<3x32xf32, #tpu.memory_space<vmem>>, %arg5: memref<32x32xf32, #tpu.memory_space<vmem>>, %arg6: memref<48x256xf32, #tpu.memory_space<vmem>>, %arg7: memref<256x256xf32, #tpu.memory_space<vmem>>, %arg8: memref<256x256xf32, #tpu.memory_space<vmem>>, %arg9: memref<16x2x96xf32, #tpu.memory_space<vmem>>, %arg10: memref<96x128xf32, #tpu.memory_space<vmem>>, %arg11: memref<96x128xf32, #tpu.memory_space<vmem>>, %arg12: memref<1x32xf32, #tpu.memory_space<vmem>>, %arg13: memref<1x32xf32, #tpu.memory_space<vmem>>, %arg14: memref<1x256xf32, #tpu.memory_space<vmem>>, %arg15: memref<1x256xf32, #tpu.memory_space<vmem>>, %arg16: memref<1x256xf32, #tpu.memory_space<vmem>>, %arg17: memref<1x2x96xf32, #tpu.memory_space<vmem>>, %arg18: memref<1x128xf32, #tpu.memory_space<vmem>>, %arg19: memref<128x128xf32, #tpu.memory_space<vmem>>) attributes {dimension_semantics = [#tpu.dimension_semantics<parallel>], iteration_bounds = array<i64: 64>, scalar_prefetch = 0 : i64, scratch_operands = 0 : i64, tpu.core_type = #tpu.core_type<tc>, window_params = [{transform_indices = @transform_0, window_bounds = array<i64: 128, 256>}, {transform_indices = @transform_1, window_bounds = array<i64: 128, 1024>}, {transform_indices = @transform_2, window_bounds = array<i64: 128, 4>}, {pipeline_mode = #tpu.pipeline_mode<synchronous>, transform_indices = @transform_3, window_bounds = array<i64: 3, 32>}, {pipeline_mode = #tpu.pipeline_mode<synchronous>, transform_indices = @transform_4, window_bounds = array<i64: 32, 32>}, {pipeline_mode = #tpu.pipeline_mode<synchronous>, transform_indices = @transform_5, window_bounds = array<i64: 48, 256>}, {pipeline_mode = #tpu.pipeline_mode<synchronous>, transform_indices = @transform_6, window_bounds = array<i64: 256, 256>}, {pipeline_mode = #tpu.pipeline_mode<synchronous>, transform_indices = @transform_7, window_bounds = array<i64: 256, 256>}, {pipeline_mode = #tpu.pipeline_mode<synchronous>, transform_indices = @transform_8, window_bounds = array<i64: 16, 2, 96>}, {pipeline_mode = #tpu.pipeline_mode<synchronous>, transform_indices = @transform_9, window_bounds = array<i64: 96, 128>}, {pipeline_mode = #tpu.pipeline_mode<synchronous>, transform_indices = @transform_10, window_bounds = array<i64: 96, 128>}, {pipeline_mode = #tpu.pipeline_mode<synchronous>, transform_indices = @transform_11, window_bounds = array<i64: 1, 32>}, {pipeline_mode = #tpu.pipeline_mode<synchronous>, transform_indices = @transform_12, window_bounds = array<i64: 1, 32>}, {pipeline_mode = #tpu.pipeline_mode<synchronous>, transform_indices = @transform_13, window_bounds = array<i64: 1, 256>}, {pipeline_mode = #tpu.pipeline_mode<synchronous>, transform_indices = @transform_14, window_bounds = array<i64: 1, 256>}, {pipeline_mode = #tpu.pipeline_mode<synchronous>, transform_indices = @transform_15, window_bounds = array<i64: 1, 256>}, {pipeline_mode = #tpu.pipeline_mode<synchronous>, transform_indices = @transform_16, window_bounds = array<i64: 1, 2, 96>}, {pipeline_mode = #tpu.pipeline_mode<synchronous>, transform_indices = @transform_17, window_bounds = array<i64: 1, 128>}, {transform_indices = @transform_18, window_bounds = array<i64: 128, 128>}]} {
    %get3A = arith.constant 0 : index
    %get3A_0 = arith.constant 0 : index
    %get3A_1 = vector.load %arg1[%get3A, %get3A_0] : memref<128x256xf32, #tpu.memory_space<vmem>>, vector<128x256xf32>
    %reshape3A = vector.shape_cast %get3A_1 : vector<128x256xf32> to vector<128x16x16xf32>
    %slice3A = vector.extract_strided_slice %reshape3A {offsets = [0, 0, 0], sizes = [128, 16, 3], strides = [1, 1, 1]} : vector<128x16x16xf32> to vector<128x16x3xf32>
    %get3A_2 = arith.constant 0 : index
    %get3A_3 = arith.constant 0 : index
    %get3A_4 = vector.load %arg3[%get3A_2, %get3A_3] : memref<128x4xf32, #tpu.memory_space<vmem>>, vector<128x4xf32>
    %slice3A_5 = vector.extract_strided_slice %get3A_4 {offsets = [0, 0], sizes = [128, 3], strides = [1, 1]} : vector<128x4xf32> to vector<128x3xf32>
    %broadcast_in_dim3A = vector.shape_cast %slice3A_5 : vector<128x3xf32> to vector<128x1x3xf32>
    %sub3A = vector.broadcast %broadcast_in_dim3A : vector<128x1x3xf32> to vector<128x16x3xf32>
    %sub3A_6 = arith.subf %slice3A, %sub3A : vector<128x16x3xf32>
    %reshape3A_7 = vector.shape_cast %sub3A_6 : vector<128x16x3xf32> to vector<2048x3xf32>
    %get3A_8 = arith.constant 0 : index
    %get3A_9 = arith.constant 0 : index
    %get3A_10 = vector.load %arg4[%get3A_8, %get3A_9] : memref<3x32xf32, #tpu.memory_space<vmem>>, vector<3x32xf32>
    %dot_general3A = arith.constant dense<0.000000e+00> : vector<2048x32xf32>
    %dot_general3A_11 = tpu.matmul %reshape3A_7, %get3A_10, %dot_general3A {dimension_numbers = #tpu.dot_dimension_numbers<[1], [0], [0], [1], [0, 0, 1, 1], [], []>, transpose_lhs_hint = false} : vector<2048x3xf32>, vector<3x32xf32>, vector<2048x32xf32> -> vector<2048x32xf32>
    %get3A_12 = arith.constant 0 : index
    %get3A_13 = arith.constant 0 : index
    %get3A_14 = vector.load %arg12[%get3A_12, %get3A_13] : memref<1x32xf32, #tpu.memory_space<vmem>>, vector<1x32xf32>
    %add3A = vector.broadcast %get3A_14 : vector<1x32xf32> to vector<2048x32xf32>
    %add3A_15 = arith.addf %dot_general3A_11, %add3A : vector<2048x32xf32>
    %gt3A = arith.constant 0.000000e+00 : f32
    %gt3A_16 = vector.broadcast %gt3A : f32 to vector<2048x32xf32>
    %gt3A_17 = arith.cmpf ogt, %add3A_15, %gt3A_16 : vector<2048x32xf32>
    %min3A = arith.constant 0.000000e+00 : f32
    %min3A_18 = vector.broadcast %min3A : f32 to vector<2048x32xf32>
    %min3A_19 = arith.minimumf %add3A_15, %min3A_18 : vector<2048x32xf32>
    %exp3A = math.exp %min3A_19 : vector<2048x32xf32>
    %sub3A_20 = arith.constant 1.000000e+00 : f32
    %sub3A_21 = vector.broadcast %sub3A_20 : f32 to vector<2048x32xf32>
    %sub3A_22 = arith.subf %exp3A, %sub3A_21 : vector<2048x32xf32>
    %select_n3A = arith.select %gt3A_17, %add3A_15, %sub3A_22 : vector<2048x32xi1>, vector<2048x32xf32>
    %get3A_23 = arith.constant 0 : index
    %get3A_24 = arith.constant 0 : index
    %get3A_25 = vector.load %arg5[%get3A_23, %get3A_24] : memref<32x32xf32, #tpu.memory_space<vmem>>, vector<32x32xf32>
    %dot_general3A_26 = arith.constant dense<0.000000e+00> : vector<2048x32xf32>
    %dot_general3A_27 = tpu.matmul %select_n3A, %get3A_25, %dot_general3A_26 {dimension_numbers = #tpu.dot_dimension_numbers<[1], [0], [0], [1], [0, 0, 1, 1], [], []>, transpose_lhs_hint = false} : vector<2048x32xf32>, vector<32x32xf32>, vector<2048x32xf32> -> vector<2048x32xf32>
    %get3A_28 = arith.constant 0 : index
    %get3A_29 = arith.constant 0 : index
    %get3A_30 = vector.load %arg13[%get3A_28, %get3A_29] : memref<1x32xf32, #tpu.memory_space<vmem>>, vector<1x32xf32>
    %add3A_31 = vector.broadcast %get3A_30 : vector<1x32xf32> to vector<2048x32xf32>
    %add3A_32 = arith.addf %dot_general3A_27, %add3A_31 : vector<2048x32xf32>
    %gt3A_33 = arith.constant 0.000000e+00 : f32
    %gt3A_34 = vector.broadcast %gt3A_33 : f32 to vector<2048x32xf32>
    %gt3A_35 = arith.cmpf ogt, %add3A_32, %gt3A_34 : vector<2048x32xf32>
    %min3A_36 = arith.constant 0.000000e+00 : f32
    %min3A_37 = vector.broadcast %min3A_36 : f32 to vector<2048x32xf32>
    %min3A_38 = arith.minimumf %add3A_32, %min3A_37 : vector<2048x32xf32>
    %exp3A_39 = math.exp %min3A_38 : vector<2048x32xf32>
    %sub3A_40 = arith.constant 1.000000e+00 : f32
    %sub3A_41 = vector.broadcast %sub3A_40 : f32 to vector<2048x32xf32>
    %sub3A_42 = arith.subf %exp3A_39, %sub3A_41 : vector<2048x32xf32>
    %select_n3A_43 = arith.select %gt3A_35, %add3A_32, %sub3A_42 : vector<2048x32xi1>, vector<2048x32xf32>
    %reshape3A_44 = vector.shape_cast %select_n3A_43 : vector<2048x32xf32> to vector<128x16x32xf32>
    %reshape3A_45 = vector.shape_cast %sub3A_6 : vector<128x16x3xf32> to vector<128x48xf32>
    %get3A_46 = arith.constant 0 : index
    %get3A_47 = arith.constant 0 : index
    %get3A_48 = vector.load %arg6[%get3A_46, %get3A_47] : memref<48x256xf32, #tpu.memory_space<vmem>>, vector<48x256xf32>
    %dot_general3A_49 = arith.constant dense<0.000000e+00> : vector<128x256xf32>
    %dot_general3A_50 = tpu.matmul %reshape3A_45, %get3A_48, %dot_general3A_49 {dimension_numbers = #tpu.dot_dimension_numbers<[1], [0], [0], [1], [0, 0, 1, 1], [], []>, transpose_lhs_hint = false} : vector<128x48xf32>, vector<48x256xf32>, vector<128x256xf32> -> vector<128x256xf32>
    %get3A_51 = arith.constant 0 : index
    %get3A_52 = arith.constant 0 : index
    %get3A_53 = vector.load %arg14[%get3A_51, %get3A_52] : memref<1x256xf32, #tpu.memory_space<vmem>>, vector<1x256xf32>
    %add3A_54 = vector.broadcast %get3A_53 : vector<1x256xf32> to vector<128x256xf32>
    %add3A_55 = arith.addf %dot_general3A_50, %add3A_54 : vector<128x256xf32>
    %gt3A_56 = arith.constant 0.000000e+00 : f32
    %gt3A_57 = vector.broadcast %gt3A_56 : f32 to vector<128x256xf32>
    %gt3A_58 = arith.cmpf ogt, %add3A_55, %gt3A_57 : vector<128x256xf32>
    %min3A_59 = arith.constant 0.000000e+00 : f32
    %min3A_60 = vector.broadcast %min3A_59 : f32 to vector<128x256xf32>
    %min3A_61 = arith.minimumf %add3A_55, %min3A_60 : vector<128x256xf32>
    %exp3A_62 = math.exp %min3A_61 : vector<128x256xf32>
    %sub3A_63 = arith.constant 1.000000e+00 : f32
    %sub3A_64 = vector.broadcast %sub3A_63 : f32 to vector<128x256xf32>
    %sub3A_65 = arith.subf %exp3A_62, %sub3A_64 : vector<128x256xf32>
    %select_n3A_66 = arith.select %gt3A_58, %add3A_55, %sub3A_65 : vector<128x256xi1>, vector<128x256xf32>
    %get3A_67 = arith.constant 0 : index
    %get3A_68 = arith.constant 0 : index
    %get3A_69 = vector.load %arg7[%get3A_67, %get3A_68] : memref<256x256xf32, #tpu.memory_space<vmem>>, vector<256x256xf32>
    %dot_general3A_70 = arith.constant dense<0.000000e+00> : vector<128x256xf32>
    %dot_general3A_71 = tpu.matmul %select_n3A_66, %get3A_69, %dot_general3A_70 {dimension_numbers = #tpu.dot_dimension_numbers<[1], [0], [0], [1], [0, 0, 1, 1], [], []>, transpose_lhs_hint = false} : vector<128x256xf32>, vector<256x256xf32>, vector<128x256xf32> -> vector<128x256xf32>
    %get3A_72 = arith.constant 0 : index
    %get3A_73 = arith.constant 0 : index
    %get3A_74 = vector.load %arg15[%get3A_72, %get3A_73] : memref<1x256xf32, #tpu.memory_space<vmem>>, vector<1x256xf32>
    %add3A_75 = vector.broadcast %get3A_74 : vector<1x256xf32> to vector<128x256xf32>
    %add3A_76 = arith.addf %dot_general3A_71, %add3A_75 : vector<128x256xf32>
    %gt3A_77 = arith.constant 0.000000e+00 : f32
    %gt3A_78 = vector.broadcast %gt3A_77 : f32 to vector<128x256xf32>
    %gt3A_79 = arith.cmpf ogt, %add3A_76, %gt3A_78 : vector<128x256xf32>
    %min3A_80 = arith.constant 0.000000e+00 : f32
    %min3A_81 = vector.broadcast %min3A_80 : f32 to vector<128x256xf32>
    %min3A_82 = arith.minimumf %add3A_76, %min3A_81 : vector<128x256xf32>
    %exp3A_83 = math.exp %min3A_82 : vector<128x256xf32>
    %sub3A_84 = arith.constant 1.000000e+00 : f32
    %sub3A_85 = vector.broadcast %sub3A_84 : f32 to vector<128x256xf32>
    %sub3A_86 = arith.subf %exp3A_83, %sub3A_85 : vector<128x256xf32>
    %select_n3A_87 = arith.select %gt3A_79, %add3A_76, %sub3A_86 : vector<128x256xi1>, vector<128x256xf32>
    %get3A_88 = arith.constant 0 : index
    %get3A_89 = arith.constant 0 : index
    %get3A_90 = vector.load %arg8[%get3A_88, %get3A_89] : memref<256x256xf32, #tpu.memory_space<vmem>>, vector<256x256xf32>
    %dot_general3A_91 = arith.constant dense<0.000000e+00> : vector<128x256xf32>
    %dot_general3A_92 = tpu.matmul %select_n3A_87, %get3A_90, %dot_general3A_91 {dimension_numbers = #tpu.dot_dimension_numbers<[1], [0], [0], [1], [0, 0, 1, 1], [], []>, transpose_lhs_hint = false} : vector<128x256xf32>, vector<256x256xf32>, vector<128x256xf32> -> vector<128x256xf32>
    %get3A_93 = arith.constant 0 : index
    %get3A_94 = arith.constant 0 : index
    %get3A_95 = vector.load %arg16[%get3A_93, %get3A_94] : memref<1x256xf32, #tpu.memory_space<vmem>>, vector<1x256xf32>
    %add3A_96 = vector.broadcast %get3A_95 : vector<1x256xf32> to vector<128x256xf32>
    %add3A_97 = arith.addf %dot_general3A_92, %add3A_96 : vector<128x256xf32>
    %get3A_98 = arith.constant 0 : index
    %get3A_99 = arith.constant 0 : index
    %get3A_100 = vector.load %arg2[%get3A_98, %get3A_99] : memref<128x1024xf32, #tpu.memory_space<vmem>>, vector<128x1024xf32>
    %reshape3A_101 = vector.shape_cast %get3A_100 : vector<128x1024xf32> to vector<128x16x64xf32>
    %concatenate3A = tpu.concatenate %reshape3A_44, %reshape3A_101 in 2 : vector<128x16x32xf32>, vector<128x16x64xf32> -> vector<128x16x96xf32>
    %reshape3A_102 = vector.shape_cast %add3A_97 : vector<128x256xf32> to vector<128x16x16xf32>
    %dot_general3A_103 = arith.constant dense<0.000000e+00> : vector<128x16x96xf32>
    %dot_general3A_104 = tpu.matmul %reshape3A_102, %concatenate3A, %dot_general3A_103 {dimension_numbers = #tpu.dot_dimension_numbers<[2], [1], [1], [2], [0, 0, 0, 1, 1, 2], [0], [0]>, transpose_lhs_hint = false} : vector<128x16x16xf32>, vector<128x16x96xf32>, vector<128x16x96xf32> -> vector<128x16x96xf32>
    %slice3A_105 = vector.extract_strided_slice %dot_general3A_104 {offsets = [0, 0, 0], sizes = [128, 1, 96], strides = [1, 1, 1]} : vector<128x16x96xf32> to vector<128x1x96xf32>
    %squeeze3A = vector.shape_cast %slice3A_105 : vector<128x1x96xf32> to vector<128x96xf32>
    %slice3A_106 = vector.extract_strided_slice %dot_general3A_104 {offsets = [0, 1, 0], sizes = [128, 1, 96], strides = [1, 1, 1]} : vector<128x16x96xf32> to vector<128x1x96xf32>
    %squeeze3A_107 = vector.shape_cast %slice3A_106 : vector<128x1x96xf32> to vector<128x96xf32>
    %slice3A_108 = vector.extract_strided_slice %dot_general3A_104 {offsets = [0, 2, 0], sizes = [128, 1, 96], strides = [1, 1, 1]} : vector<128x16x96xf32> to vector<128x1x96xf32>
    %squeeze3A_109 = vector.shape_cast %slice3A_108 : vector<128x1x96xf32> to vector<128x96xf32>
    %slice3A_110 = vector.extract_strided_slice %dot_general3A_104 {offsets = [0, 3, 0], sizes = [128, 1, 96], strides = [1, 1, 1]} : vector<128x16x96xf32> to vector<128x1x96xf32>
    %squeeze3A_111 = vector.shape_cast %slice3A_110 : vector<128x1x96xf32> to vector<128x96xf32>
    %slice3A_112 = vector.extract_strided_slice %dot_general3A_104 {offsets = [0, 4, 0], sizes = [128, 1, 96], strides = [1, 1, 1]} : vector<128x16x96xf32> to vector<128x1x96xf32>
    %squeeze3A_113 = vector.shape_cast %slice3A_112 : vector<128x1x96xf32> to vector<128x96xf32>
    %slice3A_114 = vector.extract_strided_slice %dot_general3A_104 {offsets = [0, 5, 0], sizes = [128, 1, 96], strides = [1, 1, 1]} : vector<128x16x96xf32> to vector<128x1x96xf32>
    %squeeze3A_115 = vector.shape_cast %slice3A_114 : vector<128x1x96xf32> to vector<128x96xf32>
    %slice3A_116 = vector.extract_strided_slice %dot_general3A_104 {offsets = [0, 6, 0], sizes = [128, 1, 96], strides = [1, 1, 1]} : vector<128x16x96xf32> to vector<128x1x96xf32>
    %squeeze3A_117 = vector.shape_cast %slice3A_116 : vector<128x1x96xf32> to vector<128x96xf32>
    %slice3A_118 = vector.extract_strided_slice %dot_general3A_104 {offsets = [0, 7, 0], sizes = [128, 1, 96], strides = [1, 1, 1]} : vector<128x16x96xf32> to vector<128x1x96xf32>
    %squeeze3A_119 = vector.shape_cast %slice3A_118 : vector<128x1x96xf32> to vector<128x96xf32>
    %slice3A_120 = vector.extract_strided_slice %dot_general3A_104 {offsets = [0, 8, 0], sizes = [128, 1, 96], strides = [1, 1, 1]} : vector<128x16x96xf32> to vector<128x1x96xf32>
    %squeeze3A_121 = vector.shape_cast %slice3A_120 : vector<128x1x96xf32> to vector<128x96xf32>
    %slice3A_122 = vector.extract_strided_slice %dot_general3A_104 {offsets = [0, 9, 0], sizes = [128, 1, 96], strides = [1, 1, 1]} : vector<128x16x96xf32> to vector<128x1x96xf32>
    %squeeze3A_123 = vector.shape_cast %slice3A_122 : vector<128x1x96xf32> to vector<128x96xf32>
    %slice3A_124 = vector.extract_strided_slice %dot_general3A_104 {offsets = [0, 10, 0], sizes = [128, 1, 96], strides = [1, 1, 1]} : vector<128x16x96xf32> to vector<128x1x96xf32>
    %squeeze3A_125 = vector.shape_cast %slice3A_124 : vector<128x1x96xf32> to vector<128x96xf32>
    %slice3A_126 = vector.extract_strided_slice %dot_general3A_104 {offsets = [0, 11, 0], sizes = [128, 1, 96], strides = [1, 1, 1]} : vector<128x16x96xf32> to vector<128x1x96xf32>
    %squeeze3A_127 = vector.shape_cast %slice3A_126 : vector<128x1x96xf32> to vector<128x96xf32>
    %slice3A_128 = vector.extract_strided_slice %dot_general3A_104 {offsets = [0, 12, 0], sizes = [128, 1, 96], strides = [1, 1, 1]} : vector<128x16x96xf32> to vector<128x1x96xf32>
    %squeeze3A_129 = vector.shape_cast %slice3A_128 : vector<128x1x96xf32> to vector<128x96xf32>
    %slice3A_130 = vector.extract_strided_slice %dot_general3A_104 {offsets = [0, 13, 0], sizes = [128, 1, 96], strides = [1, 1, 1]} : vector<128x16x96xf32> to vector<128x1x96xf32>
    %squeeze3A_131 = vector.shape_cast %slice3A_130 : vector<128x1x96xf32> to vector<128x96xf32>
    %slice3A_132 = vector.extract_strided_slice %dot_general3A_104 {offsets = [0, 14, 0], sizes = [128, 1, 96], strides = [1, 1, 1]} : vector<128x16x96xf32> to vector<128x1x96xf32>
    %squeeze3A_133 = vector.shape_cast %slice3A_132 : vector<128x1x96xf32> to vector<128x96xf32>
    %slice3A_134 = vector.extract_strided_slice %dot_general3A_104 {offsets = [0, 15, 0], sizes = [128, 1, 96], strides = [1, 1, 1]} : vector<128x16x96xf32> to vector<128x1x96xf32>
    %squeeze3A_135 = vector.shape_cast %slice3A_134 : vector<128x1x96xf32> to vector<128x96xf32>
    %get3A_136 = arith.constant 0 : index
    %get3A_137 = arith.constant 0 : index
    %get3A_138 = arith.constant 0 : index
    %get3A_139 = vector.load %arg9[%get3A_136, %get3A_137, %get3A_138] : memref<16x2x96xf32, #tpu.memory_space<vmem>>, vector<1x1x96xf32>
    %get3A_140 = vector.shape_cast %get3A_139 : vector<1x1x96xf32> to vector<1x96xf32>
    %mul3A = vector.broadcast %get3A_140 : vector<1x96xf32> to vector<128x96xf32>
    %mul3A_141 = arith.mulf %squeeze3A, %mul3A : vector<128x96xf32>
    %get3A_142 = arith.constant 0 : index
    %get3A_143 = arith.constant 1 : index
    %get3A_144 = arith.constant 0 : index
    %get3A_145 = vector.load %arg9[%get3A_142, %get3A_143, %get3A_144] : memref<16x2x96xf32, #tpu.memory_space<vmem>>, vector<1x1x96xf32>
    %get3A_146 = vector.shape_cast %get3A_145 : vector<1x1x96xf32> to vector<1x96xf32>
    %mul3A_147 = vector.broadcast %get3A_146 : vector<1x96xf32> to vector<128x96xf32>
    %mul3A_148 = arith.mulf %squeeze3A, %mul3A_147 : vector<128x96xf32>
    %get3A_149 = arith.constant 1 : index
    %get3A_150 = arith.constant 0 : index
    %get3A_151 = arith.constant 0 : index
    %get3A_152 = vector.load %arg9[%get3A_149, %get3A_150, %get3A_151] : memref<16x2x96xf32, #tpu.memory_space<vmem>>, vector<1x1x96xf32>
    %get3A_153 = vector.shape_cast %get3A_152 : vector<1x1x96xf32> to vector<1x96xf32>
    %mul3A_154 = vector.broadcast %get3A_153 : vector<1x96xf32> to vector<128x96xf32>
    %mul3A_155 = arith.mulf %squeeze3A_107, %mul3A_154 : vector<128x96xf32>
    %add3A_156 = arith.addf %mul3A_141, %mul3A_155 : vector<128x96xf32>
    %get3A_157 = arith.constant 1 : index
    %get3A_158 = arith.constant 1 : index
    %get3A_159 = arith.constant 0 : index
    %get3A_160 = vector.load %arg9[%get3A_157, %get3A_158, %get3A_159] : memref<16x2x96xf32, #tpu.memory_space<vmem>>, vector<1x1x96xf32>
    %get3A_161 = vector.shape_cast %get3A_160 : vector<1x1x96xf32> to vector<1x96xf32>
    %mul3A_162 = vector.broadcast %get3A_161 : vector<1x96xf32> to vector<128x96xf32>
    %mul3A_163 = arith.mulf %squeeze3A_107, %mul3A_162 : vector<128x96xf32>
    %add3A_164 = arith.addf %mul3A_148, %mul3A_163 : vector<128x96xf32>
    %get3A_165 = arith.constant 2 : index
    %get3A_166 = arith.constant 0 : index
    %get3A_167 = arith.constant 0 : index
    %get3A_168 = vector.load %arg9[%get3A_165, %get3A_166, %get3A_167] : memref<16x2x96xf32, #tpu.memory_space<vmem>>, vector<1x1x96xf32>
    %get3A_169 = vector.shape_cast %get3A_168 : vector<1x1x96xf32> to vector<1x96xf32>
    %mul3A_170 = vector.broadcast %get3A_169 : vector<1x96xf32> to vector<128x96xf32>
    %mul3A_171 = arith.mulf %squeeze3A_109, %mul3A_170 : vector<128x96xf32>
    %add3A_172 = arith.addf %add3A_156, %mul3A_171 : vector<128x96xf32>
    %get3A_173 = arith.constant 2 : index
    %get3A_174 = arith.constant 1 : index
    %get3A_175 = arith.constant 0 : index
    %get3A_176 = vector.load %arg9[%get3A_173, %get3A_174, %get3A_175] : memref<16x2x96xf32, #tpu.memory_space<vmem>>, vector<1x1x96xf32>
    %get3A_177 = vector.shape_cast %get3A_176 : vector<1x1x96xf32> to vector<1x96xf32>
    %mul3A_178 = vector.broadcast %get3A_177 : vector<1x96xf32> to vector<128x96xf32>
    %mul3A_179 = arith.mulf %squeeze3A_109, %mul3A_178 : vector<128x96xf32>
    %add3A_180 = arith.addf %add3A_164, %mul3A_179 : vector<128x96xf32>
    %get3A_181 = arith.constant 3 : index
    %get3A_182 = arith.constant 0 : index
    %get3A_183 = arith.constant 0 : index
    %get3A_184 = vector.load %arg9[%get3A_181, %get3A_182, %get3A_183] : memref<16x2x96xf32, #tpu.memory_space<vmem>>, vector<1x1x96xf32>
    %get3A_185 = vector.shape_cast %get3A_184 : vector<1x1x96xf32> to vector<1x96xf32>
    %mul3A_186 = vector.broadcast %get3A_185 : vector<1x96xf32> to vector<128x96xf32>
    %mul3A_187 = arith.mulf %squeeze3A_111, %mul3A_186 : vector<128x96xf32>
    %add3A_188 = arith.addf %add3A_172, %mul3A_187 : vector<128x96xf32>
    %get3A_189 = arith.constant 3 : index
    %get3A_190 = arith.constant 1 : index
    %get3A_191 = arith.constant 0 : index
    %get3A_192 = vector.load %arg9[%get3A_189, %get3A_190, %get3A_191] : memref<16x2x96xf32, #tpu.memory_space<vmem>>, vector<1x1x96xf32>
    %get3A_193 = vector.shape_cast %get3A_192 : vector<1x1x96xf32> to vector<1x96xf32>
    %mul3A_194 = vector.broadcast %get3A_193 : vector<1x96xf32> to vector<128x96xf32>
    %mul3A_195 = arith.mulf %squeeze3A_111, %mul3A_194 : vector<128x96xf32>
    %add3A_196 = arith.addf %add3A_180, %mul3A_195 : vector<128x96xf32>
    %get3A_197 = arith.constant 4 : index
    %get3A_198 = arith.constant 0 : index
    %get3A_199 = arith.constant 0 : index
    %get3A_200 = vector.load %arg9[%get3A_197, %get3A_198, %get3A_199] : memref<16x2x96xf32, #tpu.memory_space<vmem>>, vector<1x1x96xf32>
    %get3A_201 = vector.shape_cast %get3A_200 : vector<1x1x96xf32> to vector<1x96xf32>
    %mul3A_202 = vector.broadcast %get3A_201 : vector<1x96xf32> to vector<128x96xf32>
    %mul3A_203 = arith.mulf %squeeze3A_113, %mul3A_202 : vector<128x96xf32>
    %add3A_204 = arith.addf %add3A_188, %mul3A_203 : vector<128x96xf32>
    %get3A_205 = arith.constant 4 : index
    %get3A_206 = arith.constant 1 : index
    %get3A_207 = arith.constant 0 : index
    %get3A_208 = vector.load %arg9[%get3A_205, %get3A_206, %get3A_207] : memref<16x2x96xf32, #tpu.memory_space<vmem>>, vector<1x1x96xf32>
    %get3A_209 = vector.shape_cast %get3A_208 : vector<1x1x96xf32> to vector<1x96xf32>
    %mul3A_210 = vector.broadcast %get3A_209 : vector<1x96xf32> to vector<128x96xf32>
    %mul3A_211 = arith.mulf %squeeze3A_113, %mul3A_210 : vector<128x96xf32>
    %add3A_212 = arith.addf %add3A_196, %mul3A_211 : vector<128x96xf32>
    %get3A_213 = arith.constant 5 : index
    %get3A_214 = arith.constant 0 : index
    %get3A_215 = arith.constant 0 : index
    %get3A_216 = vector.load %arg9[%get3A_213, %get3A_214, %get3A_215] : memref<16x2x96xf32, #tpu.memory_space<vmem>>, vector<1x1x96xf32>
    %get3A_217 = vector.shape_cast %get3A_216 : vector<1x1x96xf32> to vector<1x96xf32>
    %mul3A_218 = vector.broadcast %get3A_217 : vector<1x96xf32> to vector<128x96xf32>
    %mul3A_219 = arith.mulf %squeeze3A_115, %mul3A_218 : vector<128x96xf32>
    %add3A_220 = arith.addf %add3A_204, %mul3A_219 : vector<128x96xf32>
    %get3A_221 = arith.constant 5 : index
    %get3A_222 = arith.constant 1 : index
    %get3A_223 = arith.constant 0 : index
    %get3A_224 = vector.load %arg9[%get3A_221, %get3A_222, %get3A_223] : memref<16x2x96xf32, #tpu.memory_space<vmem>>, vector<1x1x96xf32>
    %get3A_225 = vector.shape_cast %get3A_224 : vector<1x1x96xf32> to vector<1x96xf32>
    %mul3A_226 = vector.broadcast %get3A_225 : vector<1x96xf32> to vector<128x96xf32>
    %mul3A_227 = arith.mulf %squeeze3A_115, %mul3A_226 : vector<128x96xf32>
    %add3A_228 = arith.addf %add3A_212, %mul3A_227 : vector<128x96xf32>
    %get3A_229 = arith.constant 6 : index
    %get3A_230 = arith.constant 0 : index
    %get3A_231 = arith.constant 0 : index
    %get3A_232 = vector.load %arg9[%get3A_229, %get3A_230, %get3A_231] : memref<16x2x96xf32, #tpu.memory_space<vmem>>, vector<1x1x96xf32>
    %get3A_233 = vector.shape_cast %get3A_232 : vector<1x1x96xf32> to vector<1x96xf32>
    %mul3A_234 = vector.broadcast %get3A_233 : vector<1x96xf32> to vector<128x96xf32>
    %mul3A_235 = arith.mulf %squeeze3A_117, %mul3A_234 : vector<128x96xf32>
    %add3A_236 = arith.addf %add3A_220, %mul3A_235 : vector<128x96xf32>
    %get3A_237 = arith.constant 6 : index
    %get3A_238 = arith.constant 1 : index
    %get3A_239 = arith.constant 0 : index
    %get3A_240 = vector.load %arg9[%get3A_237, %get3A_238, %get3A_239] : memref<16x2x96xf32, #tpu.memory_space<vmem>>, vector<1x1x96xf32>
    %get3A_241 = vector.shape_cast %get3A_240 : vector<1x1x96xf32> to vector<1x96xf32>
    %mul3A_242 = vector.broadcast %get3A_241 : vector<1x96xf32> to vector<128x96xf32>
    %mul3A_243 = arith.mulf %squeeze3A_117, %mul3A_242 : vector<128x96xf32>
    %add3A_244 = arith.addf %add3A_228, %mul3A_243 : vector<128x96xf32>
    %get3A_245 = arith.constant 7 : index
    %get3A_246 = arith.constant 0 : index
    %get3A_247 = arith.constant 0 : index
    %get3A_248 = vector.load %arg9[%get3A_245, %get3A_246, %get3A_247] : memref<16x2x96xf32, #tpu.memory_space<vmem>>, vector<1x1x96xf32>
    %get3A_249 = vector.shape_cast %get3A_248 : vector<1x1x96xf32> to vector<1x96xf32>
    %mul3A_250 = vector.broadcast %get3A_249 : vector<1x96xf32> to vector<128x96xf32>
    %mul3A_251 = arith.mulf %squeeze3A_119, %mul3A_250 : vector<128x96xf32>
    %add3A_252 = arith.addf %add3A_236, %mul3A_251 : vector<128x96xf32>
    %get3A_253 = arith.constant 7 : index
    %get3A_254 = arith.constant 1 : index
    %get3A_255 = arith.constant 0 : index
    %get3A_256 = vector.load %arg9[%get3A_253, %get3A_254, %get3A_255] : memref<16x2x96xf32, #tpu.memory_space<vmem>>, vector<1x1x96xf32>
    %get3A_257 = vector.shape_cast %get3A_256 : vector<1x1x96xf32> to vector<1x96xf32>
    %mul3A_258 = vector.broadcast %get3A_257 : vector<1x96xf32> to vector<128x96xf32>
    %mul3A_259 = arith.mulf %squeeze3A_119, %mul3A_258 : vector<128x96xf32>
    %add3A_260 = arith.addf %add3A_244, %mul3A_259 : vector<128x96xf32>
    %get3A_261 = arith.constant 8 : index
    %get3A_262 = arith.constant 0 : index
    %get3A_263 = arith.constant 0 : index
    %get3A_264 = vector.load %arg9[%get3A_261, %get3A_262, %get3A_263] : memref<16x2x96xf32, #tpu.memory_space<vmem>>, vector<1x1x96xf32>
    %get3A_265 = vector.shape_cast %get3A_264 : vector<1x1x96xf32> to vector<1x96xf32>
    %mul3A_266 = vector.broadcast %get3A_265 : vector<1x96xf32> to vector<128x96xf32>
    %mul3A_267 = arith.mulf %squeeze3A_121, %mul3A_266 : vector<128x96xf32>
    %add3A_268 = arith.addf %add3A_252, %mul3A_267 : vector<128x96xf32>
    %get3A_269 = arith.constant 8 : index
    %get3A_270 = arith.constant 1 : index
    %get3A_271 = arith.constant 0 : index
    %get3A_272 = vector.load %arg9[%get3A_269, %get3A_270, %get3A_271] : memref<16x2x96xf32, #tpu.memory_space<vmem>>, vector<1x1x96xf32>
    %get3A_273 = vector.shape_cast %get3A_272 : vector<1x1x96xf32> to vector<1x96xf32>
    %mul3A_274 = vector.broadcast %get3A_273 : vector<1x96xf32> to vector<128x96xf32>
    %mul3A_275 = arith.mulf %squeeze3A_121, %mul3A_274 : vector<128x96xf32>
    %add3A_276 = arith.addf %add3A_260, %mul3A_275 : vector<128x96xf32>
    %get3A_277 = arith.constant 9 : index
    %get3A_278 = arith.constant 0 : index
    %get3A_279 = arith.constant 0 : index
    %get3A_280 = vector.load %arg9[%get3A_277, %get3A_278, %get3A_279] : memref<16x2x96xf32, #tpu.memory_space<vmem>>, vector<1x1x96xf32>
    %get3A_281 = vector.shape_cast %get3A_280 : vector<1x1x96xf32> to vector<1x96xf32>
    %mul3A_282 = vector.broadcast %get3A_281 : vector<1x96xf32> to vector<128x96xf32>
    %mul3A_283 = arith.mulf %squeeze3A_123, %mul3A_282 : vector<128x96xf32>
    %add3A_284 = arith.addf %add3A_268, %mul3A_283 : vector<128x96xf32>
    %get3A_285 = arith.constant 9 : index
    %get3A_286 = arith.constant 1 : index
    %get3A_287 = arith.constant 0 : index
    %get3A_288 = vector.load %arg9[%get3A_285, %get3A_286, %get3A_287] : memref<16x2x96xf32, #tpu.memory_space<vmem>>, vector<1x1x96xf32>
    %get3A_289 = vector.shape_cast %get3A_288 : vector<1x1x96xf32> to vector<1x96xf32>
    %mul3A_290 = vector.broadcast %get3A_289 : vector<1x96xf32> to vector<128x96xf32>
    %mul3A_291 = arith.mulf %squeeze3A_123, %mul3A_290 : vector<128x96xf32>
    %add3A_292 = arith.addf %add3A_276, %mul3A_291 : vector<128x96xf32>
    %get3A_293 = arith.constant 10 : index
    %get3A_294 = arith.constant 0 : index
    %get3A_295 = arith.constant 0 : index
    %get3A_296 = vector.load %arg9[%get3A_293, %get3A_294, %get3A_295] : memref<16x2x96xf32, #tpu.memory_space<vmem>>, vector<1x1x96xf32>
    %get3A_297 = vector.shape_cast %get3A_296 : vector<1x1x96xf32> to vector<1x96xf32>
    %mul3A_298 = vector.broadcast %get3A_297 : vector<1x96xf32> to vector<128x96xf32>
    %mul3A_299 = arith.mulf %squeeze3A_125, %mul3A_298 : vector<128x96xf32>
    %add3A_300 = arith.addf %add3A_284, %mul3A_299 : vector<128x96xf32>
    %get3A_301 = arith.constant 10 : index
    %get3A_302 = arith.constant 1 : index
    %get3A_303 = arith.constant 0 : index
    %get3A_304 = vector.load %arg9[%get3A_301, %get3A_302, %get3A_303] : memref<16x2x96xf32, #tpu.memory_space<vmem>>, vector<1x1x96xf32>
    %get3A_305 = vector.shape_cast %get3A_304 : vector<1x1x96xf32> to vector<1x96xf32>
    %mul3A_306 = vector.broadcast %get3A_305 : vector<1x96xf32> to vector<128x96xf32>
    %mul3A_307 = arith.mulf %squeeze3A_125, %mul3A_306 : vector<128x96xf32>
    %add3A_308 = arith.addf %add3A_292, %mul3A_307 : vector<128x96xf32>
    %get3A_309 = arith.constant 11 : index
    %get3A_310 = arith.constant 0 : index
    %get3A_311 = arith.constant 0 : index
    %get3A_312 = vector.load %arg9[%get3A_309, %get3A_310, %get3A_311] : memref<16x2x96xf32, #tpu.memory_space<vmem>>, vector<1x1x96xf32>
    %get3A_313 = vector.shape_cast %get3A_312 : vector<1x1x96xf32> to vector<1x96xf32>
    %mul3A_314 = vector.broadcast %get3A_313 : vector<1x96xf32> to vector<128x96xf32>
    %mul3A_315 = arith.mulf %squeeze3A_127, %mul3A_314 : vector<128x96xf32>
    %add3A_316 = arith.addf %add3A_300, %mul3A_315 : vector<128x96xf32>
    %get3A_317 = arith.constant 11 : index
    %get3A_318 = arith.constant 1 : index
    %get3A_319 = arith.constant 0 : index
    %get3A_320 = vector.load %arg9[%get3A_317, %get3A_318, %get3A_319] : memref<16x2x96xf32, #tpu.memory_space<vmem>>, vector<1x1x96xf32>
    %get3A_321 = vector.shape_cast %get3A_320 : vector<1x1x96xf32> to vector<1x96xf32>
    %mul3A_322 = vector.broadcast %get3A_321 : vector<1x96xf32> to vector<128x96xf32>
    %mul3A_323 = arith.mulf %squeeze3A_127, %mul3A_322 : vector<128x96xf32>
    %add3A_324 = arith.addf %add3A_308, %mul3A_323 : vector<128x96xf32>
    %get3A_325 = arith.constant 12 : index
    %get3A_326 = arith.constant 0 : index
    %get3A_327 = arith.constant 0 : index
    %get3A_328 = vector.load %arg9[%get3A_325, %get3A_326, %get3A_327] : memref<16x2x96xf32, #tpu.memory_space<vmem>>, vector<1x1x96xf32>
    %get3A_329 = vector.shape_cast %get3A_328 : vector<1x1x96xf32> to vector<1x96xf32>
    %mul3A_330 = vector.broadcast %get3A_329 : vector<1x96xf32> to vector<128x96xf32>
    %mul3A_331 = arith.mulf %squeeze3A_129, %mul3A_330 : vector<128x96xf32>
    %add3A_332 = arith.addf %add3A_316, %mul3A_331 : vector<128x96xf32>
    %get3A_333 = arith.constant 12 : index
    %get3A_334 = arith.constant 1 : index
    %get3A_335 = arith.constant 0 : index
    %get3A_336 = vector.load %arg9[%get3A_333, %get3A_334, %get3A_335] : memref<16x2x96xf32, #tpu.memory_space<vmem>>, vector<1x1x96xf32>
    %get3A_337 = vector.shape_cast %get3A_336 : vector<1x1x96xf32> to vector<1x96xf32>
    %mul3A_338 = vector.broadcast %get3A_337 : vector<1x96xf32> to vector<128x96xf32>
    %mul3A_339 = arith.mulf %squeeze3A_129, %mul3A_338 : vector<128x96xf32>
    %add3A_340 = arith.addf %add3A_324, %mul3A_339 : vector<128x96xf32>
    %get3A_341 = arith.constant 13 : index
    %get3A_342 = arith.constant 0 : index
    %get3A_343 = arith.constant 0 : index
    %get3A_344 = vector.load %arg9[%get3A_341, %get3A_342, %get3A_343] : memref<16x2x96xf32, #tpu.memory_space<vmem>>, vector<1x1x96xf32>
    %get3A_345 = vector.shape_cast %get3A_344 : vector<1x1x96xf32> to vector<1x96xf32>
    %mul3A_346 = vector.broadcast %get3A_345 : vector<1x96xf32> to vector<128x96xf32>
    %mul3A_347 = arith.mulf %squeeze3A_131, %mul3A_346 : vector<128x96xf32>
    %add3A_348 = arith.addf %add3A_332, %mul3A_347 : vector<128x96xf32>
    %get3A_349 = arith.constant 13 : index
    %get3A_350 = arith.constant 1 : index
    %get3A_351 = arith.constant 0 : index
    %get3A_352 = vector.load %arg9[%get3A_349, %get3A_350, %get3A_351] : memref<16x2x96xf32, #tpu.memory_space<vmem>>, vector<1x1x96xf32>
    %get3A_353 = vector.shape_cast %get3A_352 : vector<1x1x96xf32> to vector<1x96xf32>
    %mul3A_354 = vector.broadcast %get3A_353 : vector<1x96xf32> to vector<128x96xf32>
    %mul3A_355 = arith.mulf %squeeze3A_131, %mul3A_354 : vector<128x96xf32>
    %add3A_356 = arith.addf %add3A_340, %mul3A_355 : vector<128x96xf32>
    %get3A_357 = arith.constant 14 : index
    %get3A_358 = arith.constant 0 : index
    %get3A_359 = arith.constant 0 : index
    %get3A_360 = vector.load %arg9[%get3A_357, %get3A_358, %get3A_359] : memref<16x2x96xf32, #tpu.memory_space<vmem>>, vector<1x1x96xf32>
    %get3A_361 = vector.shape_cast %get3A_360 : vector<1x1x96xf32> to vector<1x96xf32>
    %mul3A_362 = vector.broadcast %get3A_361 : vector<1x96xf32> to vector<128x96xf32>
    %mul3A_363 = arith.mulf %squeeze3A_133, %mul3A_362 : vector<128x96xf32>
    %add3A_364 = arith.addf %add3A_348, %mul3A_363 : vector<128x96xf32>
    %get3A_365 = arith.constant 14 : index
    %get3A_366 = arith.constant 1 : index
    %get3A_367 = arith.constant 0 : index
    %get3A_368 = vector.load %arg9[%get3A_365, %get3A_366, %get3A_367] : memref<16x2x96xf32, #tpu.memory_space<vmem>>, vector<1x1x96xf32>
    %get3A_369 = vector.shape_cast %get3A_368 : vector<1x1x96xf32> to vector<1x96xf32>
    %mul3A_370 = vector.broadcast %get3A_369 : vector<1x96xf32> to vector<128x96xf32>
    %mul3A_371 = arith.mulf %squeeze3A_133, %mul3A_370 : vector<128x96xf32>
    %add3A_372 = arith.addf %add3A_356, %mul3A_371 : vector<128x96xf32>
    %get3A_373 = arith.constant 15 : index
    %get3A_374 = arith.constant 0 : index
    %get3A_375 = arith.constant 0 : index
    %get3A_376 = vector.load %arg9[%get3A_373, %get3A_374, %get3A_375] : memref<16x2x96xf32, #tpu.memory_space<vmem>>, vector<1x1x96xf32>
    %get3A_377 = vector.shape_cast %get3A_376 : vector<1x1x96xf32> to vector<1x96xf32>
    %mul3A_378 = vector.broadcast %get3A_377 : vector<1x96xf32> to vector<128x96xf32>
    %mul3A_379 = arith.mulf %squeeze3A_135, %mul3A_378 : vector<128x96xf32>
    %add3A_380 = arith.addf %add3A_364, %mul3A_379 : vector<128x96xf32>
    %get3A_381 = arith.constant 15 : index
    %get3A_382 = arith.constant 1 : index
    %get3A_383 = arith.constant 0 : index
    %get3A_384 = vector.load %arg9[%get3A_381, %get3A_382, %get3A_383] : memref<16x2x96xf32, #tpu.memory_space<vmem>>, vector<1x1x96xf32>
    %get3A_385 = vector.shape_cast %get3A_384 : vector<1x1x96xf32> to vector<1x96xf32>
    %mul3A_386 = vector.broadcast %get3A_385 : vector<1x96xf32> to vector<128x96xf32>
    %mul3A_387 = arith.mulf %squeeze3A_135, %mul3A_386 : vector<128x96xf32>
    %add3A_388 = arith.addf %add3A_372, %mul3A_387 : vector<128x96xf32>
    %get3A_389 = arith.constant 0 : index
    %get3A_390 = arith.constant 0 : index
    %get3A_391 = arith.constant 0 : index
    %get3A_392 = vector.load %arg17[%get3A_389, %get3A_390, %get3A_391] : memref<1x2x96xf32, #tpu.memory_space<vmem>>, vector<1x1x96xf32>
    %get3A_393 = vector.shape_cast %get3A_392 : vector<1x1x96xf32> to vector<1x96xf32>
    %add3A_394 = vector.broadcast %get3A_393 : vector<1x96xf32> to vector<128x96xf32>
    %add3A_395 = arith.addf %add3A_380, %add3A_394 : vector<128x96xf32>
    %get3A_396 = arith.constant 0 : index
    %get3A_397 = arith.constant 1 : index
    %get3A_398 = arith.constant 0 : index
    %get3A_399 = vector.load %arg17[%get3A_396, %get3A_397, %get3A_398] : memref<1x2x96xf32, #tpu.memory_space<vmem>>, vector<1x1x96xf32>
    %get3A_400 = vector.shape_cast %get3A_399 : vector<1x1x96xf32> to vector<1x96xf32>
    %add3A_401 = vector.broadcast %get3A_400 : vector<1x96xf32> to vector<128x96xf32>
    %add3A_402 = arith.addf %add3A_388, %add3A_401 : vector<128x96xf32>
    %get3A_403 = arith.constant 0 : index
    %get3A_404 = arith.constant 0 : index
    %get3A_405 = vector.load %arg10[%get3A_403, %get3A_404] : memref<96x128xf32, #tpu.memory_space<vmem>>, vector<96x128xf32>
    %dot_general3A_406 = arith.constant dense<0.000000e+00> : vector<128x128xf32>
    %dot_general3A_407 = tpu.matmul %add3A_395, %get3A_405, %dot_general3A_406 {dimension_numbers = #tpu.dot_dimension_numbers<[1], [0], [0], [1], [0, 0, 1, 1], [], []>, transpose_lhs_hint = false} : vector<128x96xf32>, vector<96x128xf32>, vector<128x128xf32> -> vector<128x128xf32>
    %get3A_408 = arith.constant 0 : index
    %get3A_409 = arith.constant 0 : index
    %get3A_410 = vector.load %arg11[%get3A_408, %get3A_409] : memref<96x128xf32, #tpu.memory_space<vmem>>, vector<96x128xf32>
    %dot_general3A_411 = arith.constant dense<0.000000e+00> : vector<128x128xf32>
    %dot_general3A_412 = tpu.matmul %add3A_402, %get3A_410, %dot_general3A_411 {dimension_numbers = #tpu.dot_dimension_numbers<[1], [0], [0], [1], [0, 0, 1, 1], [], []>, transpose_lhs_hint = false} : vector<128x96xf32>, vector<96x128xf32>, vector<128x128xf32> -> vector<128x128xf32>
    %add3A_413 = arith.addf %dot_general3A_407, %dot_general3A_412 : vector<128x128xf32>
    %get3A_414 = arith.constant 0 : index
    %get3A_415 = arith.constant 0 : index
    %get3A_416 = vector.load %arg18[%get3A_414, %get3A_415] : memref<1x128xf32, #tpu.memory_space<vmem>>, vector<1x128xf32>
    %add3A_417 = vector.broadcast %get3A_416 : vector<1x128xf32> to vector<128x128xf32>
    %add3A_418 = arith.addf %add3A_413, %add3A_417 : vector<128x128xf32>
    %gt3A_419 = arith.constant 0.000000e+00 : f32
    %gt3A_420 = vector.broadcast %gt3A_419 : f32 to vector<128x128xf32>
    %gt3A_421 = arith.cmpf ogt, %add3A_418, %gt3A_420 : vector<128x128xf32>
    %min3A_422 = arith.constant 0.000000e+00 : f32
    %min3A_423 = vector.broadcast %min3A_422 : f32 to vector<128x128xf32>
    %min3A_424 = arith.minimumf %add3A_418, %min3A_423 : vector<128x128xf32>
    %exp3A_425 = math.exp %min3A_424 : vector<128x128xf32>
    %sub3A_426 = arith.constant 1.000000e+00 : f32
    %sub3A_427 = vector.broadcast %sub3A_426 : f32 to vector<128x128xf32>
    %sub3A_428 = arith.subf %exp3A_425, %sub3A_427 : vector<128x128xf32>
    %select_n3A_429 = arith.select %gt3A_421, %add3A_418, %sub3A_428 : vector<128x128xi1>, vector<128x128xf32>
    %swap3A = arith.constant 0 : index
    %swap3A_430 = arith.constant 0 : index
    %swap3A_431 = vector.load %arg19[%swap3A, %swap3A_430] : memref<128x128xf32, #tpu.memory_space<vmem>>, vector<128x128xf32>
    tpu.vector_store %arg19[%swap3A, %swap3A_430], %select_n3A_429 {strides = array<i32>} : memref<128x128xf32, #tpu.memory_space<vmem>>, vector<128x128xf32>,
    return
  }
  func.func @transform_0(%arg0: i32) -> (i32, i32) {
    %c0_i32 = arith.constant 0 : i32
    %c0_i32_0 = arith.constant 0 : i32
    return %arg0, %c0_i32 : i32, i32
  }
  func.func @transform_1(%arg0: i32) -> (i32, i32) {
    %c0_i32 = arith.constant 0 : i32
    %c0_i32_0 = arith.constant 0 : i32
    return %arg0, %c0_i32 : i32, i32
  }
  func.func @transform_2(%arg0: i32) -> (i32, i32) {
    %c0_i32 = arith.constant 0 : i32
    %c0_i32_0 = arith.constant 0 : i32
    return %arg0, %c0_i32 : i32, i32
  }
  func.func @transform_3(%arg0: i32) -> (i32, i32) {
    %c0_i32 = arith.constant 0 : i32
    %c0_i32_0 = arith.constant 0 : i32
    %c0_i32_1 = arith.constant 0 : i32
    return %c0_i32, %c0_i32_0 : i32, i32
  }
  func.func @transform_4(%arg0: i32) -> (i32, i32) {
    %c0_i32 = arith.constant 0 : i32
    %c0_i32_0 = arith.constant 0 : i32
    %c0_i32_1 = arith.constant 0 : i32
    return %c0_i32, %c0_i32_0 : i32, i32
  }
  func.func @transform_5(%arg0: i32) -> (i32, i32) {
    %c0_i32 = arith.constant 0 : i32
    %c0_i32_0 = arith.constant 0 : i32
    %c0_i32_1 = arith.constant 0 : i32
    return %c0_i32, %c0_i32_0 : i32, i32
  }
  func.func @transform_6(%arg0: i32) -> (i32, i32) {
    %c0_i32 = arith.constant 0 : i32
    %c0_i32_0 = arith.constant 0 : i32
    %c0_i32_1 = arith.constant 0 : i32
    return %c0_i32, %c0_i32_0 : i32, i32
  }
  func.func @transform_7(%arg0: i32) -> (i32, i32) {
    %c0_i32 = arith.constant 0 : i32
    %c0_i32_0 = arith.constant 0 : i32
    %c0_i32_1 = arith.constant 0 : i32
    return %c0_i32, %c0_i32_0 : i32, i32
  }
  func.func @transform_8(%arg0: i32) -> (i32, i32, i32) {
    %c0_i32 = arith.constant 0 : i32
    %c0_i32_0 = arith.constant 0 : i32
    %c0_i32_1 = arith.constant 0 : i32
    %c0_i32_2 = arith.constant 0 : i32
    return %c0_i32, %c0_i32_0, %c0_i32_1 : i32, i32, i32
  }
  func.func @transform_9(%arg0: i32) -> (i32, i32) {
    %c0_i32 = arith.constant 0 : i32
    %c0_i32_0 = arith.constant 0 : i32
    %c0_i32_1 = arith.constant 0 : i32
    return %c0_i32, %c0_i32_0 : i32, i32
  }
  func.func @transform_10(%arg0: i32) -> (i32, i32) {
    %c0_i32 = arith.constant 0 : i32
    %c0_i32_0 = arith.constant 0 : i32
    %c0_i32_1 = arith.constant 0 : i32
    return %c0_i32, %c0_i32_0 : i32, i32
  }
  func.func @transform_11(%arg0: i32) -> (i32, i32) {
    %c0_i32 = arith.constant 0 : i32
    %c0_i32_0 = arith.constant 0 : i32
    %c0_i32_1 = arith.constant 0 : i32
    return %c0_i32, %c0_i32_0 : i32, i32
  }
  func.func @transform_12(%arg0: i32) -> (i32, i32) {
    %c0_i32 = arith.constant 0 : i32
    %c0_i32_0 = arith.constant 0 : i32
    %c0_i32_1 = arith.constant 0 : i32
    return %c0_i32, %c0_i32_0 : i32, i32
  }
  func.func @transform_13(%arg0: i32) -> (i32, i32) {
    %c0_i32 = arith.constant 0 : i32
    %c0_i32_0 = arith.constant 0 : i32
    %c0_i32_1 = arith.constant 0 : i32
    return %c0_i32, %c0_i32_0 : i32, i32
  }
  func.func @transform_14(%arg0: i32) -> (i32, i32) {
    %c0_i32 = arith.constant 0 : i32
    %c0_i32_0 = arith.constant 0 : i32
    %c0_i32_1 = arith.constant 0 : i32
    return %c0_i32, %c0_i32_0 : i32, i32
  }
  func.func @transform_15(%arg0: i32) -> (i32, i32) {
    %c0_i32 = arith.constant 0 : i32
    %c0_i32_0 = arith.constant 0 : i32
    %c0_i32_1 = arith.constant 0 : i32
    return %c0_i32, %c0_i32_0 : i32, i32
  }
  func.func @transform_16(%arg0: i32) -> (i32, i32, i32) {
    %c0_i32 = arith.constant 0 : i32
    %c0_i32_0 = arith.constant 0 : i32
    %c0_i32_1 = arith.constant 0 : i32
    %c0_i32_2 = arith.constant 0 : i32
    return %c0_i32, %c0_i32_0, %c0_i32_1 : i32, i32, i32
  }
  func.func @transform_17(%arg0: i32) -> (i32, i32) {
    %c0_i32 = arith.constant 0 : i32
    %c0_i32_0 = arith.constant 0 : i32
    %c0_i32_1 = arith.constant 0 : i32
    return %c0_i32, %c0_i32_0 : i32, i32
  }
  func.func @transform_18(%arg0: i32) -> (i32, i32) {
    %c0_i32 = arith.constant 0 : i32
    %c0_i32_0 = arith.constant 0 : i32
    return %arg0, %c0_i32 : i32, i32
  }
}

</mosaic_0001>

<sc_bundles>
// kernel: kernel.7.cloned.1.call-start
scs
__scs_entry_jumppad:
0x0: {  	(pc) =	sbr.rel $0x88, $3  }
0x1: {  	(tag) =	ssettag $0x0;
	lr =	simm.s32 $0x1  }
0x2: {  	[smem:$0x3F8F] =	sst lr;
	_ =	strace $0xD0000000  }
0x3: {  	_ = 	snop  }
0x4: {  	_ = 	snop  }
0x5: {  	_ = 	snop  }
0x6: {  	_ = 	snop  }
0x7: {  	_ = 	snop  }
__scs_overlays_trampoline_lowered:
0x8: {  	[smem:$0x3F9E] =	sst s0  }
0x9: {  	[smem:$0x3F9F] =	sst s1  }
0xa: {  	[smem:$0x3FA0] =	sst s2  }
0xb: {  	[smem:$0x3FA1] =	sst s3  }
0xc: {  	[smem:$0x3FA2] =	sst s4  }
0xd: {  	[smem:$0x3FA3] =	sst s5  }
0xe: {  	[smem:$0x3FA4] =	sst s6  }
0xf: {  	[smem:$0x3FA5] =	sst s7  }
0x10: {  	[smem:$0x3FA6] =	sst s8  }
0x11: {  	[smem:$0x3FA7] =	sst s9;
	s0 =	simm.s32 @!p0 $0x0  }
0x12: {  	s1 =	sld [smem:$0x3F8D];
	s0 =	simm.s32 @p0 $0x1  }
0x13: {  	[smem:$0x3FA8] =	sst s0;
	s0 =	simm.s32 @!p1 $0x0  }
0x14: {  	s2 =	sld [smem:$0x3F8C];
	s0 =	simm.s32 @p1 $0x1  }
0x15: {  	[smem:$0x3FA9] =	sst s0;
	s0 =	simm.s32 @!p2 $0x0  }
0x16: {  	s3 =	sld [smem:$0x3FDB];
	s0 =	simm.s32 @p2 $0x1  }
0x17: {  	s4 =	simm.s32 $0x1BF5;
	[smem:$0x3FAB] =	sst s0  }
0x18: {  	s0 =	sld [smem:$0x3F8E];
	_ =	swait.ge [sflag:s4], $0x0  }
0x19: {  	s7 =	sld [smem:$0x3F8F]  }
0x1a: {  	s8 =	sadd.s32 $0xFFFFE003, lr  }
0x1b: {  	s9 =	sadd.s32 $0xFFFFFEF7, lr;
	s5 =	simm.s32 $0xFFFFFFFF;
	p2 =	slt.u32 s8, $0xFFFFF086  }
0x1c: {  	p1 =	slt.u32 s9, $0xF7A;
	s5 =	simm.s32 @!p2 $0x0  }
0x1d: {  	s5 =	simm.s32 @p1 $0x1;
	p0 =	seq.s32 s7, s2  }
0x1e: {  	s7 =	smul.u32 @!p0 $0xF7A, s2;
	p2 =	seq.s32 @!p0 s5, $0x0  }
0x1f: {  	s9 =	smul.u32 $0xF7A, s1;
	s8 =	simm.s32 @!p0 $0x1BF5;
	p2 =	por !p2, p0  }
0x20: {  	[sflag:s8] =	ssyncset.s32 @!p0 $0xFFFFF086;
	s6 =	sadd.s32 @!p0 s3, s7;
	s7 =	simm.s32 @!p0 $0x108  }
0x21: {  	s3 =	sadd.s32 s3, s9;
	s6 =	sadd.s32 @!p0 $0x88, s6;
	s7 =	simm.s32 @p2 $0x1082  }
0x22: {  	[simem:s7], [sflag:s8] =	dma.local @!p0 [hbm:s6], $0xF7A  }
0x23: {  	s9 =	sor.u32 $0xD0000000, s2;
	s6 =	simm.s32 $0x108;
	_ =	swait.ge @!p0 [sflag:s8], $0x0  }
0x24: {  	s3 =	sadd.s32 $0x88, s3;
	s6 =	simm.s32 @!p1 $0x1082;
	[sflag:s4] =	ssyncset.s32 $0xFFFFF086  }
0x25: {  	[simem:s6], [sflag:s4] =	dma.local [hbm:s3], $0xF7A  }
0x26: {  	[smem:$0x3F8F] =	sst s1;
	(tag) =	ssettag s2;
	_ =	strace s9  }
0x27: {  	s1 =	sld [smem:$0x3F9F]  }
0x28: {  	s2 =	sld [smem:$0x3FA0]  }
0x29: {  	s4 =	sld [smem:$0x3FA2]  }
0x2a: {  	p0 =	seq.s32 s5, $0x0;
	s5 =	sld [smem:$0x3FA3]  }
0x2b: {  	s6 =	sld [smem:$0x3FA4]  }
0x2c: {  	s7 =	sld [smem:$0x3FA5]  }
0x2d: {  	s3 =	simm.s32 $0x108;
	s8 =	sld [smem:$0x3FA6]  }
0x2e: {  	s3 =	simm.s32 @!p0 $0x1082;
	s9 =	sld [smem:$0x3FA7]  }
0x2f: {  	lr =	sadd.s32 s0, s3;
	s0 =	sld [smem:$0x3F9E]  }
0x30: {  	s3 =	sld [smem:$0x3FA1]  }
0x31: {  	[smem:$0x3FAA] =	sst s10  }
0x32: {  	s10 =	sld [smem:$0x3FA8];
	_ =	sdelay $0x3  }
0x33: {  	p0 =	seq.s32 s10, $0x1;
	s10 =	sld [smem:$0x3FAA];
	_ =	sdelay $0x3  }
0x34: {  	[smem:$0x3FAA] =	sst s10  }
0x35: {  	s10 =	sld [smem:$0x3FA9];
	_ =	sdelay $0x3  }
0x36: {  	p1 =	seq.s32 s10, $0x1;
	s10 =	sld [smem:$0x3FAA];
	_ =	sdelay $0x3  }
0x37: {  	[smem:$0x3FAA] =	sst s10  }
0x38: {  	s10 =	sld [smem:$0x3FAB]  }
0x39: {  	_ = 	snop;
	(pc) =	sbr.ind lr, $3  }
0x3a: {  	_ = 	snop  }
0x3b: {  	_ = 	snop  }
0x3c: {  	p2 =	seq.s32 s10, $0x1;
	s10 =	sld [smem:$0x3FAA]  }
0x3d: {  	_ =	shalt  }
0x3e: {  	_ =	shalt  }
0x3f: {  	_ =	shalt  }
0x40: {  	_ =	shalt  }
0x41: {  	_ =	shalt  }
0x42: {  	_ =	shalt  }
0x43: {  	_ =	shalt  }
0x44: {  	_ =	shalt  }
0x45: {  	_ =	shalt  }
0x46: {  	_ =	shalt  }
0x47: {  	_ =	shalt  }
0x48: {  	_ =	shalt  }
0x49: {  	_ =	shalt  }
0x4a: {  	_ =	shalt  }
0x4b: {  	_ =	shalt  }
0x4c: {  	_ =	shalt  }
0x4d: {  	_ =	shalt  }
0x4e: {  	_ =	shalt  }
0x4f: {  	_ =	shalt  }
0x50: {  	_ =	shalt  }
0x51: {  	_ =	shalt  }
0x52: {  	_ =	shalt  }
0x53: {  	_ =	shalt  }
0x54: {  	_ =	shalt  }
0x55: {  	_ =	shalt  }
0x56: {  	_ =	shalt  }
0x57: {  	_ =	shalt  }
0x58: {  	_ =	shalt  }
0x59: {  	_ =	shalt  }
0x5a: {  	_ =	shalt  }
0x5b: {  	_ =	shalt  }
0x5c: {  	_ =	shalt  }
0x5d: {  	_ =	shalt  }
0x5e: {  	_ =	shalt  }
0x5f: {  	_ =	shalt  }
0x60: {  	_ =	shalt  }
0x61: {  	_ =	shalt  }
0x62: {  	_ =	shalt  }
0x63: {  	_ =	shalt  }
0x64: {  	_ =	shalt  }
0x65: {  	_ =	shalt  }
0x66: {  	_ =	shalt  }
0x67: {  	_ =	shalt  }
0x68: {  	_ =	shalt  }
0x69: {  	_ =	shalt  }
0x6a: {  	_ =	shalt  }
0x6b: {  	_ =	shalt  }
0x6c: {  	_ =	shalt  }
0x6d: {  	_ =	shalt  }
0x6e: {  	_ =	shalt  }
0x6f: {  	_ =	shalt  }
0x70: {  	_ =	shalt  }
0x71: {  	_ =	shalt  }
0x72: {  	_ =	shalt  }
0x73: {  	_ =	shalt  }
0x74: {  	_ =	shalt  }
0x75: {  	_ =	shalt  }
0x76: {  	_ =	shalt  }
0x77: {  	_ =	shalt  }
0x78: {  	_ =	shalt  }
0x79: {  	_ =	shalt  }
0x7a: {  	_ =	shalt  }
0x7b: {  	_ =	shalt  }
0x7c: {  	_ =	shalt  }
0x7d: {  	_ =	shalt  }
0x7e: {  	_ =	shalt  }
0x7f: {  	_ =	shalt  }
0x80: {  	_ =	shalt  }
0x81: {  	_ =	shalt  }
0x82: {  	_ =	shalt  }
0x83: {  	_ =	shalt  }
0x84: {  	_ =	shalt  }
0x85: {  	_ =	shalt  }
0x86: {  	_ =	shalt  }
0x87: {  	_ =	shalt  }
.Lfunc_end0:
.L_simem_size_0:
called_computation_lowered:
.L_overlay_start_0:
0x88: {  	s2 =	sld [smem:$0x3FD9]  }
0x89: {  	s3 =	sld [smem:$0x3FFE];
	_ =	sdelay $0x1  }
0x8a: {  	s1 =	srdreg.scid  }
0x8b: {  	s0 =	sand.u32 $0x1, s1  }
0x8c: {  	s14 =	sshll.u32 s0, $0xA;
	s2 =	sadd.s32 s3, s2  }
0x8d: {  	s2 =	sadd.s32 s2, s14  }
0x8e: {  	[smem:$0x3FB6] =	sst s2  }
0x8f: {  	_ = 	snop  }
0x90: {  	s2 =	sld [smem:$0x3FD0];
	_ =	sdelay $0x2  }
0x91: {  	s15 =	simm.s32 $0xA;
	s4 =	simm.s32 $0x10  }
0x92: {  	[smem:s4], [sflag:s15] =	dma.local [hbm:s2], $0x1  }
0x93: {  	_ =	swait.eq [sflag:s15], $0x1  }
0x94: {  	[sflag:s15] =	ssyncset.done $0x0  }
0x95: {  	[sflag:s15] =	ssyncadd.s32 $0xFFFFFFFF  }
0x96: {  	s16 =	sld [smem:$0x11];
	(tm) =	ssettm $0x1  }
0x97: {  	s17 =	sld [smem:$0x3FFB];
	_ =	sdelay $0x3  }
0x98: {  	_ =	strace s17  }
0x99: {  	s3 =	sld [smem:$0x3FFC];
	_ =	sdelay $0x3  }
0x9a: {  	_ =	strace s3  }
0x9b: {  	s3 =	sld [smem:$0x3FFD];
	_ =	sdelay $0x3  }
0x9c: {  	_ =	strace s3  }
0x9d: {  	_ =	strace $0x8FFFFFFF  }
0x9e: {  	s18 =	sld [smem:$0x3FDB];
	_ =	sdelay $0x1  }
0x9f: {  	s19 =	simm.s32 $_scs_section_size  }
0xa0: {  	s5 =	simm.s32 $_size__tile_overlayer_lowered;
	s6 =	simm.s32 $_tile_overlayer_lowered  }
0xa1: {  	s22 =	simm.s32 $0x1BFF;
	s21 =	sshll.u32 s6, $0x1;
	s3 =	sadd.s32 s19, s18  }
0xa2: {  	s7 =	simm.s32 $0x0;
	s20 =	sshll.u32 s5, $0x1;
	s5 =	sadd.s32 s21, s3  }
0xa3: {  	[timem:s7], [sflag:s22] =	dma.local [hbm:s5], s20  }
0xa4: {  	_ =	swait.ge [sflag:s22], s20  }
0xa5: {  	s4 =	ssub.s32 $0x0, s20;
	[sflag:s22] =	ssyncset.done $0x0  }
0xa6: {  	[sflag:s22] =	ssyncadd.s32 s4;
	_ =	sdelay $0x1  }
0xa7: {  	s23 =	simm.s32 $0x1B8B  }
0xa8: {  	_ =	swait.ge [sflag:s23], $0x1  }
0xa9: {  	[sflag:s23] =	ssyncset.done $0x0  }
0xaa: {  	s25 =	simm.s32 $0x1B8E;
	s24 =	sld [smem:$0x3FFE];
	[sflag:s23] =	ssyncadd.s32 $0xFFFFFFFF  }
0xab: {  	s26 =	simm.s32 $execute0_lowered;
	[smem:$0x3FD2] =	sst s25  }
0xac: {  	s5 =	sshll.u32 s26, $0x1;
	_ =	strace $0x80000046;
	[dreg:$0x1] =	wrdreg $0xFFFFFFFF  }
0xad: {  	s28 =	simm.s32 $_size_execute0_lowered;
	s3 =	sadd.s32 s3, s5;
	[dreg:$0x0] =	wrdreg $0x0  }
0xae: {  	s5 =	sshll.u32 s28, $0x1;
	[dreg:$0x2] =	wrdreg s3  }
0xaf: {  	[dreg:$0x3] =	wrdreg s5  }
0xb0: {  	[dreg:$0x4] =	wrdreg $0xC0  }
0xb1: {  	_ =	task [dreg:s7], $0x5FFFF  }
0xb2: {  	[dreg:$0x1] =	wrdreg $0xFFFFFFFF  }
0xb3: {  	[dreg:$0x0] =	wrdreg $0x60  }
0xb4: {  	[dreg:$0x2] =	wrdreg s24  }
0xb5: {  	[dreg:$0x3] =	wrdreg s16  }
0xb6: {  	[dreg:$0x4] =	wrdreg $0x9  }
0xb7: {  	_ =	task.clear_ibuf [dreg:s7], $0x5FFFF;
	_ =	strace $0x90000046  }
0xb8: {  	s29 =	simm.s32 $0x9;
	_ =	strace $0x80000048  }
0xb9: {  	_ =	swait.ge [sflag:s29], $0x1  }
0xba: {  	[sflag:s29] =	ssyncadd.s32 $0xFFFFFFFF  }
0xbb: {  	_ =	strace $0x90000048  }
0xbc: {  	_ =	sfence  }
0xbd: {  	s30 =	sld [smem:$0x0];
	_ =	sdelay $0x2  }
0xbe: {  	s31 =	sshll.u32 s1, $0xD;
	s1 =	sshrl.u32 s1, $0x2  }
0xbf: {  	s3 =	sand.u32 $0x4000, s31;
	s1 =	sadd.s32 s1, s30  }
0xc0: {  	s0 =	sor.u32 s3, s0;
	s1 =	sshll.u32 s1, $0x11  }
0xc1: {  	s0 =	sor.u32 s1, s0  }
0xc2: {  	s0 =	sadd.s32 $0x8F2B, s0  }
0xc3: {  	[sflag:s0] =	ssyncadd.remote.s32 $0x1  }
0xc4: {  	_ =	sfence.sel $0xFFFF  }
0xc5: {  	[dreg:$0x0] =	wrdreg $0xFFFFFFFF;
	(pc) =	sbr.abs _section_cstart, $3  }
0xc6: {  	[dreg:$0x1] =	wrdreg $0xFFFFFFFF  }
0xc7: {  	_ =	task.clear_ibuf [dreg:s7], $0x2FFFF;
	_ =	strace $0x9FFFFFFF  }
0xc8: {  	(tm) =	ssettm $0x7FFFFFFF  }
0xc9: {  	_ =	shalt  }
tec
execute0_lowered:
.L_overlay_start_1:
0x0: {  	(tag) =	ssettag $0x1  }
0x1: {  	s1 =	srdreg.scid  }
0x2: {  	s12 =	rddreg [dreg:$0x0];
	s0 =	stileid.u32;
	s20 =	sand.u32 $0x1, s1  }
0x3: {  	s2 =	rddreg [dreg:$0x1];
	s4 =	sshll.u32 s0, $0xD;
	s5 =	sshll.u32 s20, $0xC  }
0x4: {  	s3 =	simm.s32 $0x0;
	s1 =	rddreg [dreg:$0x2];
	s21 =	sor.u32 s5, s4  }
0x5: {  	[smem:$0x7FF] =	sst s3;
	s19 =	sadd.s32 $0x3600, s12;
	s4 =	sshrl.u32 s21, $0x3  }
0x6: {  	_ =	strace $0x80000047;
	s5 =	sadd.s32 s19, s4;
	s4 =	simm.s32 $0x3  }
0x7: {  	[tilespmem:s3], [sflag:$0x3] =	stream.linear.gather [hbm4b:s5+s3], $0x400, $0x38;
	[tilespmem:$0x14400] =	vst v63  }
0x8: {  	_ =	swait.ge [sflag:s4], $0x400  }
0x9: {  	[sflag:s4] =	ssyncset.done $0x0  }
0xa: {  	s7 =	simm.s32 $0x400;
	s6 =	sadd.s32 $0x83600, s12;
	[sflag:s4] =	ssyncadd.s32 $0xFFFFFC00  }
0xb: {  	[tilespmem:s7], [sflag:$0x1] =	stream.indirect.gather [hbm4b:s6+s7], $0x40, s3, s7, $0xb8;
	[tilespmem:$0x14400] =	vst v63  }
0xc: {  	s8 =	simm.s32 $0x10400;
	s9 =	simm.s32 $0x1  }
0xd: {  	[tilespmem:s8], [sflag:$0x2] =	stream.indirect.gather [hbm4b:s2+s7], $0x10, s3, s7, $0xb8;
	[tilespmem:$0x14400] =	vst v63  }
0xe: {  	_ =	swait.ge [sflag:s9], $0x10000  }
0xf: {  	[sflag:s9] =	ssyncset.done $0x0  }
0x10: {  	s10 =	simm.s32 $0x2;
	[sflag:s9] =	ssyncadd.s32 $0xFFFF0000  }
0x11: {  	_ =	swait.ge [sflag:s10], $0x4000  }
0x12: {  	s23 =	sadd.s32 $0xC3600, s12;
	s11 =	sshll.u32 s21, $0x3;
	[sflag:s10] =	ssyncset.done $0x0  }
0x13: {  	s11 =	sadd.s32 s23, s11;
	[sflag:s10] =	ssyncadd.s32 $0xFFFFC000  }
0x14: {  	[hbm4b:s11+s3] =	stream.linear.scatter [tilespmem:s7], [sflag:$0x3], $0x10000, $0x38;
	[tilespmem:$0x14400] =	vst v63  }
0x15: {  	_ =	swait.ge [sflag:s4], $0x10000  }
0x16: {  	s22 =	sadd.s32 $0x7600, s12;
	s28 =	sshll.u32 s21, $0x1;
	[sflag:s4] =	ssyncset.done $0x0  }
0x17: {  	s12 =	sadd.s32 s22, s28;
	[sflag:s4] =	ssyncadd.s32 $0xFFFF0000  }
0x18: {  	[hbm4b:s12+s3] =	stream.linear.scatter [tilespmem:s8], [sflag:$0x3], $0x4000, $0x38;
	[tilespmem:$0x14400] =	vst v63  }
0x19: {  	s15 =	sor.u32 $0x400, s21;
	_ =	swait.ge [sflag:s4], $0x4000  }
0x1a: {  	s13 =	sshrl.u32 s15, $0x3;
	[sflag:s4] =	ssyncset.done $0x0  }
0x1b: {  	s13 =	sadd.s32 s19, s13;
	[sflag:s4] =	ssyncadd.s32 $0xFFFFC000  }
0x1c: {  	[tilespmem:s3], [sflag:$0x3] =	stream.linear.gather [hbm4b:s13+s3], $0x400, $0x38;
	[tilespmem:$0x14400] =	vst v63  }
0x1d: {  	_ =	swait.ge [sflag:s4], $0x400  }
0x1e: {  	[sflag:s4] =	ssyncset.done $0x0  }
0x1f: {  	[sflag:s4] =	ssyncadd.s32 $0xFFFFFC00  }
0x20: {  	[tilespmem:s7], [sflag:$0x1] =	stream.indirect.gather [hbm4b:s6+s7], $0x40, s3, s7, $0xb8;
	[tilespmem:$0x14400] =	vst v63  }
0x21: {  	_ = 	snop  }
0x22: {  	[tilespmem:s8], [sflag:$0x2] =	stream.indirect.gather [hbm4b:s2+s7], $0x10, s3, s7, $0xb8;
	[tilespmem:$0x14400] =	vst v63  }
0x23: {  	_ =	swait.ge [sflag:s9], $0x10000  }
0x24: {  	[sflag:s9] =	ssyncset.done $0x0  }
0x25: {  	[sflag:s9] =	ssyncadd.s32 $0xFFFF0000  }
0x26: {  	_ =	swait.ge [sflag:s10], $0x4000  }
0x27: {  	s14 =	sshll.u32 s15, $0x3;
	[sflag:s10] =	ssyncset.done $0x0  }
0x28: {  	s14 =	sadd.s32 s23, s14;
	[sflag:s10] =	ssyncadd.s32 $0xFFFFC000  }
0x29: {  	[hbm4b:s14+s3] =	stream.linear.scatter [tilespmem:s7], [sflag:$0x3], $0x10000, $0x38;
	[tilespmem:$0x14400] =	vst v63  }
0x2a: {  	_ =	swait.ge [sflag:s4], $0x10000  }
0x2b: {  	s15 =	sshll.u32 s15, $0x1;
	[sflag:s4] =	ssyncset.done $0x0  }
0x2c: {  	s15 =	sadd.s32 s22, s15;
	[sflag:s4] =	ssyncadd.s32 $0xFFFF0000  }
0x2d: {  	[hbm4b:s15+s3] =	stream.linear.scatter [tilespmem:s8], [sflag:$0x3], $0x4000, $0x38;
	[tilespmem:$0x14400] =	vst v63  }
0x2e: {  	s18 =	sor.u32 $0x800, s21;
	_ =	swait.ge [sflag:s4], $0x4000  }
0x2f: {  	s16 =	sshrl.u32 s18, $0x3;
	[sflag:s4] =	ssyncset.done $0x0  }
0x30: {  	s16 =	sadd.s32 s19, s16;
	[sflag:s4] =	ssyncadd.s32 $0xFFFFC000  }
0x31: {  	[tilespmem:s3], [sflag:$0x3] =	stream.linear.gather [hbm4b:s16+s3], $0x400, $0x38;
	[tilespmem:$0x14400] =	vst v63  }
0x32: {  	_ =	swait.ge [sflag:s4], $0x400  }
0x33: {  	[sflag:s4] =	ssyncset.done $0x0  }
0x34: {  	[sflag:s4] =	ssyncadd.s32 $0xFFFFFC00  }
0x35: {  	[tilespmem:s7], [sflag:$0x1] =	stream.indirect.gather [hbm4b:s6+s7], $0x40, s3, s7, $0xb8;
	[tilespmem:$0x14400] =	vst v63  }
0x36: {  	_ = 	snop  }
0x37: {  	[tilespmem:s8], [sflag:$0x2] =	stream.indirect.gather [hbm4b:s2+s7], $0x10, s3, s7, $0xb8;
	[tilespmem:$0x14400] =	vst v63  }
0x38: {  	_ =	swait.ge [sflag:s9], $0x10000  }
0x39: {  	[sflag:s9] =	ssyncset.done $0x0  }
0x3a: {  	[sflag:s9] =	ssyncadd.s32 $0xFFFF0000  }
0x3b: {  	_ =	swait.ge [sflag:s10], $0x4000  }
0x3c: {  	s17 =	sshll.u32 s18, $0x3;
	[sflag:s10] =	ssyncset.done $0x0  }
0x3d: {  	s17 =	sadd.s32 s23, s17;
	[sflag:s10] =	ssyncadd.s32 $0xFFFFC000  }
0x3e: {  	[hbm4b:s17+s3] =	stream.linear.scatter [tilespmem:s7], [sflag:$0x3], $0x10000, $0x38;
	[tilespmem:$0x14400] =	vst v63  }
0x3f: {  	_ =	swait.ge [sflag:s4], $0x10000  }
0x40: {  	s18 =	sshll.u32 s18, $0x1;
	[sflag:s4] =	ssyncset.done $0x0  }
0x41: {  	s18 =	sadd.s32 s22, s18;
	[sflag:s4] =	ssyncadd.s32 $0xFFFF0000  }
0x42: {  	[hbm4b:s18+s3] =	stream.linear.scatter [tilespmem:s8], [sflag:$0x3], $0x4000, $0x38;
	[tilespmem:$0x14400] =	vst v63  }
0x43: {  	s21 =	sor.u32 $0xC00, s21;
	_ =	swait.ge [sflag:s4], $0x4000  }
0x44: {  	s24 =	sshrl.u32 s21, $0x3;
	[sflag:s4] =	ssyncset.done $0x0  }
0x45: {  	s19 =	sadd.s32 s19, s24;
	[sflag:s4] =	ssyncadd.s32 $0xFFFFC000  }
0x46: {  	[tilespmem:s3], [sflag:$0x3] =	stream.linear.gather [hbm4b:s19+s3], $0x400, $0x38;
	[tilespmem:$0x14400] =	vst v63  }
0x47: {  	_ =	swait.ge [sflag:s4], $0x400  }
0x48: {  	[sflag:s4] =	ssyncset.done $0x0  }
0x49: {  	[sflag:s4] =	ssyncadd.s32 $0xFFFFFC00  }
0x4a: {  	[tilespmem:s7], [sflag:$0x1] =	stream.indirect.gather [hbm4b:s6+s7], $0x40, s3, s7, $0xb8;
	[tilespmem:$0x14400] =	vst v63  }
0x4b: {  	_ = 	snop  }
0x4c: {  	[tilespmem:s8], [sflag:$0x2] =	stream.indirect.gather [hbm4b:s2+s7], $0x10, s3, s7, $0xb8;
	[tilespmem:$0x14400] =	vst v63  }
0x4d: {  	_ =	swait.ge [sflag:s9], $0x10000  }
0x4e: {  	[sflag:s9] =	ssyncset.done $0x0  }
0x4f: {  	s25 =	ssub.s32 $0x2, s20;
	[sflag:s9] =	ssyncadd.s32 $0xFFFF0000  }
0x50: {  	s30 =	sshrl.u32 s25, $0x1;
	s29 =	sshll.u32 s21, $0x3;
	_ =	swait.ge [sflag:s10], $0x4000  }
0x51: {  	s20 =	sadd.s32 s23, s29;
	s23 =	ssub.s32 s25, s30;
	[sflag:s10] =	ssyncset.done $0x0  }
0x52: {  	s31 =	smax.u32 s23, $0x1;
	[sflag:s10] =	ssyncadd.s32 $0xFFFFC000  }
0x53: {  	[hbm4b:s20+s3] =	stream.linear.scatter [tilespmem:s7], [sflag:$0x3], $0x10000, $0x38;
	[tilespmem:$0x14400] =	vst v63  }
0x54: {  	p0 =	sne.s32 s31, $0x1;
	_ =	swait.ge [sflag:s4], $0x10000  }
.Ltmp0:
0x55: {  	s21 =	sshll.u32 s21, $0x1;
	[sflag:s4] =	ssyncset.done $0x0;
	(pc) =	sbr.rel @!p0 .LBB2_2-.Ltmp0, $4  }
0x56: {  	s21 =	sadd.s32 s22, s21;
	[sflag:s4] =	ssyncadd.s32 $0xFFFF0000  }
0x57: {  	[hbm4b:s21+s3] =	stream.linear.scatter [tilespmem:s8], [sflag:$0x3], $0x4000, $0x38;
	[tilespmem:$0x14400] =	vst v63  }
0x58: {  	_ =	swait.ge [sflag:s4], $0x4000  }
0x59: {  	s22 =	sadd.s32 $0xFFFFFFFF, s31;
	[sflag:s4] =	ssyncset.done $0x0  }
.LBB2_1:
0x5a: {  	p0 =	sne.s32 s22, $0x1;
	s22 =	sadd.s32 $0xFFFFFFFF, s22;
	[sflag:s4] =	ssyncadd.s32 $0xFFFFC000  }
0x5b: {  	[tilespmem:s3], [sflag:$0x3] =	stream.linear.gather [hbm4b:s5+s3], $0x400, $0x38;
	[tilespmem:$0x14400] =	vst v63  }
0x5c: {  	_ =	swait.ge [sflag:s4], $0x400  }
0x5d: {  	[sflag:s4] =	ssyncset.done $0x0  }
0x5e: {  	[sflag:s4] =	ssyncadd.s32 $0xFFFFFC00  }
0x5f: {  	[tilespmem:s7], [sflag:$0x1] =	stream.indirect.gather [hbm4b:s6+s7], $0x40, s3, s7, $0xb8;
	[tilespmem:$0x14400] =	vst v63  }
0x60: {  	_ = 	snop  }
0x61: {  	[tilespmem:s8], [sflag:$0x2] =	stream.indirect.gather [hbm4b:s2+s7], $0x10, s3, s7, $0xb8;
	[tilespmem:$0x14400] =	vst v63  }
0x62: {  	_ =	swait.ge [sflag:s9], $0x10000  }
0x63: {  	[sflag:s9] =	ssyncset.done $0x0  }
0x64: {  	[sflag:s9] =	ssyncadd.s32 $0xFFFF0000  }
0x65: {  	_ =	swait.ge [sflag:s10], $0x4000  }
0x66: {  	[sflag:s10] =	ssyncset.done $0x0  }
0x67: {  	[sflag:s10] =	ssyncadd.s32 $0xFFFFC000  }
0x68: {  	[hbm4b:s11+s3] =	stream.linear.scatter [tilespmem:s7], [sflag:$0x3], $0x10000, $0x38;
	[tilespmem:$0x14400] =	vst v63  }
0x69: {  	_ =	swait.ge [sflag:s4], $0x10000  }
0x6a: {  	[sflag:s4] =	ssyncset.done $0x0  }
0x6b: {  	[sflag:s4] =	ssyncadd.s32 $0xFFFF0000  }
0x6c: {  	[hbm4b:s12+s3] =	stream.linear.scatter [tilespmem:s8], [sflag:$0x3], $0x4000, $0x38;
	[tilespmem:$0x14400] =	vst v63  }
0x6d: {  	_ =	swait.ge [sflag:s4], $0x4000  }
0x6e: {  	[sflag:s4] =	ssyncset.done $0x0  }
0x6f: {  	[sflag:s4] =	ssyncadd.s32 $0xFFFFC000  }
0x70: {  	[tilespmem:s3], [sflag:$0x3] =	stream.linear.gather [hbm4b:s13+s3], $0x400, $0x38;
	[tilespmem:$0x14400] =	vst v63  }
0x71: {  	_ =	swait.ge [sflag:s4], $0x400  }
0x72: {  	[sflag:s4] =	ssyncset.done $0x0  }
0x73: {  	[sflag:s4] =	ssyncadd.s32 $0xFFFFFC00  }
0x74: {  	[tilespmem:s7], [sflag:$0x1] =	stream.indirect.gather [hbm4b:s6+s7], $0x40, s3, s7, $0xb8;
	[tilespmem:$0x14400] =	vst v63  }
0x75: {  	_ = 	snop  }
0x76: {  	[tilespmem:s8], [sflag:$0x2] =	stream.indirect.gather [hbm4b:s2+s7], $0x10, s3, s7, $0xb8;
	[tilespmem:$0x14400] =	vst v63  }
0x77: {  	_ =	swait.ge [sflag:s9], $0x10000  }
0x78: {  	[sflag:s9] =	ssyncset.done $0x0  }
0x79: {  	[sflag:s9] =	ssyncadd.s32 $0xFFFF0000  }
0x7a: {  	_ =	swait.ge [sflag:s10], $0x4000  }
0x7b: {  	[sflag:s10] =	ssyncset.done $0x0  }
0x7c: {  	[sflag:s10] =	ssyncadd.s32 $0xFFFFC000  }
0x7d: {  	[hbm4b:s14+s3] =	stream.linear.scatter [tilespmem:s7], [sflag:$0x3], $0x10000, $0x38;
	[tilespmem:$0x14400] =	vst v63  }
0x7e: {  	_ =	swait.ge [sflag:s4], $0x10000  }
0x7f: {  	[sflag:s4] =	ssyncset.done $0x0  }
0x80: {  	[sflag:s4] =	ssyncadd.s32 $0xFFFF0000  }
0x81: {  	[hbm4b:s15+s3] =	stream.linear.scatter [tilespmem:s8], [sflag:$0x3], $0x4000, $0x38;
	[tilespmem:$0x14400] =	vst v63  }
0x82: {  	_ =	swait.ge [sflag:s4], $0x4000  }
0x83: {  	[sflag:s4] =	ssyncset.done $0x0  }
0x84: {  	[sflag:s4] =	ssyncadd.s32 $0xFFFFC000  }
0x85: {  	[tilespmem:s3], [sflag:$0x3] =	stream.linear.gather [hbm4b:s16+s3], $0x400, $0x38;
	[tilespmem:$0x14400] =	vst v63  }
0x86: {  	_ =	swait.ge [sflag:s4], $0x400  }
0x87: {  	[sflag:s4] =	ssyncset.done $0x0  }
0x88: {  	[sflag:s4] =	ssyncadd.s32 $0xFFFFFC00  }
0x89: {  	[tilespmem:s7], [sflag:$0x1] =	stream.indirect.gather [hbm4b:s6+s7], $0x40, s3, s7, $0xb8;
	[tilespmem:$0x14400] =	vst v63  }
0x8a: {  	_ = 	snop  }
0x8b: {  	[tilespmem:s8], [sflag:$0x2] =	stream.indirect.gather [hbm4b:s2+s7], $0x10, s3, s7, $0xb8;
	[tilespmem:$0x14400] =	vst v63  }
0x8c: {  	_ =	swait.ge [sflag:s9], $0x10000  }
0x8d: {  	[sflag:s9] =	ssyncset.done $0x0  }
0x8e: {  	[sflag:s9] =	ssyncadd.s32 $0xFFFF0000  }
0x8f: {  	_ =	swait.ge [sflag:s10], $0x4000  }
0x90: {  	[sflag:s10] =	ssyncset.done $0x0  }
0x91: {  	[sflag:s10] =	ssyncadd.s32 $0xFFFFC000  }
0x92: {  	[hbm4b:s17+s3] =	stream.linear.scatter [tilespmem:s7], [sflag:$0x3], $0x10000, $0x38;
	[tilespmem:$0x14400] =	vst v63  }
0x93: {  	_ =	swait.ge [sflag:s4], $0x10000  }
0x94: {  	[sflag:s4] =	ssyncset.done $0x0  }
0x95: {  	[sflag:s4] =	ssyncadd.s32 $0xFFFF0000  }
0x96: {  	[hbm4b:s18+s3] =	stream.linear.scatter [tilespmem:s8], [sflag:$0x3], $0x4000, $0x38;
	[tilespmem:$0x14400] =	vst v63  }
0x97: {  	_ =	swait.ge [sflag:s4], $0x4000  }
0x98: {  	[sflag:s4] =	ssyncset.done $0x0  }
0x99: {  	[sflag:s4] =	ssyncadd.s32 $0xFFFFC000  }
0x9a: {  	[tilespmem:s3], [sflag:$0x3] =	stream.linear.gather [hbm4b:s19+s3], $0x400, $0x38;
	[tilespmem:$0x14400] =	vst v63  }
0x9b: {  	_ =	swait.ge [sflag:s4], $0x400  }
0x9c: {  	[sflag:s4] =	ssyncset.done $0x0  }
0x9d: {  	[sflag:s4] =	ssyncadd.s32 $0xFFFFFC00  }
0x9e: {  	[tilespmem:s7], [sflag:$0x1] =	stream.indirect.gather [hbm4b:s6+s7], $0x40, s3, s7, $0xb8;
	[tilespmem:$0x14400] =	vst v63  }
0x9f: {  	_ = 	snop  }
0xa0: {  	[tilespmem:s8], [sflag:$0x2] =	stream.indirect.gather [hbm4b:s2+s7], $0x10, s3, s7, $0xb8;
	[tilespmem:$0x14400] =	vst v63  }
0xa1: {  	_ =	swait.ge [sflag:s9], $0x10000  }
0xa2: {  	[sflag:s9] =	ssyncset.done $0x0  }
0xa3: {  	[sflag:s9] =	ssyncadd.s32 $0xFFFF0000  }
0xa4: {  	_ =	swait.ge [sflag:s10], $0x4000  }
0xa5: {  	[sflag:s10] =	ssyncset.done $0x0  }
0xa6: {  	[sflag:s10] =	ssyncadd.s32 $0xFFFFC000  }
0xa7: {  	[hbm4b:s20+s3] =	stream.linear.scatter [tilespmem:s7], [sflag:$0x3], $0x10000, $0x38;
	[tilespmem:$0x14400] =	vst v63  }
0xa8: {  	_ =	swait.ge [sflag:s4], $0x10000  }
.Ltmp1:
0xa9: {  	[sflag:s4] =	ssyncset.done $0x0;
	(pc) =	sbr.rel @p0 .LBB2_1-.Ltmp1, $4  }
0xaa: {  	[sflag:s4] =	ssyncadd.s32 $0xFFFF0000  }
0xab: {  	[hbm4b:s21+s3] =	stream.linear.scatter [tilespmem:s8], [sflag:$0x3], $0x4000, $0x38;
	[tilespmem:$0x14400] =	vst v63  }
0xac: {  	_ =	swait.ge [sflag:s4], $0x4000  }
0xad: {  	[sflag:s4] =	ssyncset.done $0x0  }
.LBB2_2:
0xae: {  	[sflag:s4] =	ssyncadd.s32 $0xFFFFC000  }
0xaf: {  	_ =	sfence.sel $0x180000  }
0xb0: {  	[bflag:$0x0] =	sbarrier.arrive $0xFFFF  }
0xb1: {  	p0 =	sne.s32 s0, $0x0;
	_ =	strace $0x90000047  }
0xb2: {  	s0 =	sadd.s32 @!p0 $0x100000, s1;
	[bflag:$0x2] =	sbarrier.arrive $0xFFFF  }
0xb3: {  	[sflag:s0] =	ssyncadd.tile.s32 @!p0 $0x1;
	_ =	shalt  }
.Lfunc_end2:
_tile_overlayer_lowered:
.L_overlay_start_2:
0xb4: {  	(tag) =	ssettag $0x2  }
0xb5: {  	s0 =	rddreg [dreg:$0x0];
	s2 =	stileid.u32  }
0xb6: {  	s1 =	rddreg [dreg:$0x1];
	p0 =	sne.s32 s2, $0x0  }
0xb7: {  	s3 =	rddreg [dreg:$0x2];
	[bflag:$0x3] =	sbarrier.arrive $0xFFFF;
	s2 =	simm.s32 @!p0 $0x1C03  }
0xb8: {  	[timem:s3], [sflag:s2] =	dma.local @!p0 [hbm:s0], s1  }
0xb9: {  	s0 =	simm.s32 @!p0 $0x3  }
0xba: {  	_ =	swait.ge @!p0 [sflag:s0], s1  }
0xbb: {  	s1 =	ssub.s32 @!p0 $0x0, s1;
	[sflag:s0] =	ssyncset.done @!p0 $0x0  }
0xbc: {  	[sflag:s0] =	ssyncadd.s32 @!p0 s1  }
0xbd: {  	[bflag:$0x3] =	sbarrier.arrive $0xFFFF  }
0xbe: {  	_ =	shalt  }

</sc_bundles>
